<compile_context>
chip_gen: v7x
topology: tpu7x:2x2x1
jax: 0.10.2.dev20260603
libtpu: 0.0.44.dev20260713+nightly
codegen_flags: <defaults>
</compile_context>

<pallas_src>
import functools

import jax
import jax.numpy as jnp
from jax import lax
from jax.experimental import pallas as pl
from jax.experimental.pallas import tpu as pltpu
from jax.experimental.pallas import tpu_sc as plsc

_N = 10000
_E = 320000
_D = 128
_H = 128
_G = 64

_NCORES = 2
_NSUB = 16
_NTILES = _NCORES * _NSUB
_CHUNK = 80
_CHUNKS_PER_TILE = 126
_EPAD = _NTILES * _CHUNKS_PER_TILE * _CHUNK
_EPT = _CHUNKS_PER_TILE * _CHUNK
_NACC = 10008
_INIT_ROWS = 624
_INIT_TAIL = _NACC - _NSUB * _INIT_ROWS
_OUT_ROWS = 624
_OUT_TAIL = _N - _NSUB * _OUT_ROWS


def _agg_body(z_hbm, src_hbm, dst_hbm, zeros_hbm, out_hbm, sidx, didx,
              rows, acc, gsem, ssem):
    c = lax.axis_index("c")
    s = lax.axis_index("s")
    wid = s * _NCORES + c

    pltpu.sync_copy(zeros_hbm, acc.at[pl.ds(s * _INIT_ROWS, _INIT_ROWS)])

    @pl.when(s == _NSUB - 1)
    def _():
        pltpu.sync_copy(
            zeros_hbm.at[pl.ds(0, _INIT_TAIL)],
            acc.at[pl.ds(_NSUB * _INIT_ROWS, _INIT_TAIL)])

    pltpu.sync_copy(src_hbm.at[pl.ds(wid * _EPT, _EPT)], sidx)
    pltpu.sync_copy(dst_hbm.at[pl.ds(wid * _EPT, _EPT)], didx)

    plsc.subcore_barrier()

    _CPT = _CHUNKS_PER_TILE

    def _slot(j):
        return pl.multiple_of(lax.rem(j, 3) * _CHUNK, _CHUNK)

    def _gather(j, slot):
        pltpu.async_copy(
            z_hbm.at[sidx.at[pl.ds(j * _CHUNK, _CHUNK)]],
            rows.at[pl.ds(slot, _CHUNK)], gsem)

    def _gwait(slot):
        pltpu.make_async_copy(
            z_hbm.at[sidx.at[pl.ds(0, _CHUNK)]],
            rows.at[pl.ds(slot, _CHUNK)], gsem).wait()

    def _scatter(j, slot):
        pltpu.async_copy(
            rows.at[pl.ds(slot, _CHUNK)],
            acc.at[didx.at[pl.ds(j * _CHUNK, _CHUNK)]], ssem, add=True)

    def _swait(j, slot):
        pltpu.make_async_copy(
            rows.at[pl.ds(slot, _CHUNK)],
            acc.at[didx.at[pl.ds(j * _CHUNK, _CHUNK)]], ssem).wait()

    _gather(0, _slot(0))
    _gather(1, _slot(1))
    _gwait(_slot(0))
    _gather(2, _slot(2))
    _scatter(0, _slot(0))

    def body(j, carry):
        _gwait(_slot(j))
        _swait(j - 1, _slot(j - 1))
        _gather(jnp.minimum(j + 2, _CPT - 1), _slot(j + 2))
        _scatter(j, _slot(j))
        return carry

    lax.fori_loop(1, _CPT, body, 0)

    _gwait(_slot(_CPT))
    _gwait(_slot(_CPT + 1))
    _swait(_CPT - 1, _slot(_CPT - 1))

    plsc.subcore_barrier()

    pltpu.sync_copy(
        acc.at[pl.ds(s * _OUT_ROWS, _OUT_ROWS)],
        out_hbm.at[c, pl.ds(s * _OUT_ROWS, _OUT_ROWS)],
    )

    @pl.when(s == _NSUB - 1)
    def _():
        pltpu.sync_copy(
            acc.at[pl.ds(_NSUB * _OUT_ROWS, _OUT_TAIL)],
            out_hbm.at[c, pl.ds(_NSUB * _OUT_ROWS, _OUT_TAIL)],
        )


@functools.cache
def _agg():
    return functools.partial(
        pl.kernel,
        out_type=jax.ShapeDtypeStruct((_NCORES, _N, _D), jnp.float32),
        mesh=plsc.VectorSubcoreMesh(core_axis_name="c", subcore_axis_name="s",
                                    num_cores=_NCORES, num_subcores=_NSUB),
        scratch_types=[
            pltpu.VMEM((_EPT,), jnp.int32),
            pltpu.VMEM((_EPT,), jnp.int32),
            pltpu.VMEM((3 * _CHUNK, _D), jnp.float32),
            pltpu.VMEM_SHARED((_NACC, _D), jnp.float32),
            pltpu.SemaphoreType.DMA,
            pltpu.SemaphoreType.DMA,
        ],
    )(_agg_body)


def _tc_layer_body(relu_out, z_ref, p_ref, w1_ref, b1_ref, w2_ref, b2_ref,
                   gm_ref, bt_ref, batch_ref, zout_ref, gout_ref):
    h = z_ref[...] + p_ref[0] + p_ref[1]
    h = jnp.dot(h, w1_ref[...], preferred_element_type=jnp.float32) + b1_ref[...]
    h = jnp.maximum(h, 0.0)
    h = jnp.dot(h, w2_ref[...], preferred_element_type=jnp.float32) + b2_ref[...]
    mean = jnp.mean(h, axis=0, keepdims=True)
    var = jnp.mean((h - mean) ** 2, axis=0, keepdims=True)
    h = (h - mean) / jnp.sqrt(var + 1e-5) * gm_ref[...] + bt_ref[...]
    if relu_out:
        h = jnp.maximum(h, 0.0)
    zout_ref[...] = h
    onehot = (lax.broadcasted_iota(jnp.int32, (_G, _N), 0) == batch_ref[...]
              ).astype(jnp.float32)
    gout_ref[...] = jnp.dot(onehot, h, preferred_element_type=jnp.float32)


_tc_layer = {
    flag: pl.pallas_call(
        functools.partial(_tc_layer_body, flag),
        out_shape=(
            jax.ShapeDtypeStruct((_N, _H), jnp.float32),
            jax.ShapeDtypeStruct((_G, _H), jnp.float32),
        ),
    )
    for flag in (False, True)
}


def kernel(x, edge_index, batch, W1_0, b1_0, W2_0, b2_0, gamma_0, beta_0,
           W1_1, b1_1, W2_1, b2_1, gamma_1, beta_1):
    src = edge_index[0]
    dst = edge_index[1]
    npad = _EPAD - _E
    src_p = jnp.concatenate([src, jnp.zeros((npad,), jnp.int32)])
    dst_p = jnp.concatenate([dst, jnp.full((npad,), _N, jnp.int32)])
    zeros = jnp.zeros((_INIT_ROWS, _D), jnp.float32)
    batch2 = batch.reshape(1, _N)

    params = [
        (W1_0, b1_0, W2_0, b2_0, gamma_0, beta_0),
        (W1_1, b1_1, W2_1, b2_1, gamma_1, beta_1),
    ]
    z = x
    zs, gs = [], []
    for i, (w1, b1, w2, b2, gm, bt) in enumerate(params):
        parts = _agg()(z, src_p, dst_p, zeros)
        z, g = _tc_layer[i == 0](
            z, parts, w1, b1.reshape(1, _H), w2, b2.reshape(1, _H),
            gm.reshape(1, _H), bt.reshape(1, _H), batch2)
        zs.append(z)
        gs.append(g)
    return jnp.concatenate(zs, axis=1), jnp.concatenate(gs, axis=1)

# --- scband reference (transcript-rebuilt; emitter-appended) ---
"""Pipeline reference for scband-gconv-57475252355660 (READ-ONLY COPY).

The authoritative reference and input builder live on the scoring server;
editing this copy changes nothing except your own understanding.
"""

import jax, jax.numpy as jnp
import numpy as np

N = 10000
E = 320000
D = 128
H = 128
G = 64


def setup_inputs(seed: int = 0) -> dict:
    key = jax.random.key(seed)
    ks = jax.random.split(key, 16)
    x = jax.random.normal(ks[0], (N, D), dtype=jnp.float32)
    edge_index = jax.random.randint(ks[1], (2, E), 0, N, dtype=jnp.int32)
    batch = jnp.sort(jax.random.randint(ks[2], (N,), 0, G, dtype=jnp.int32))
    s1 = 1.0 / np.sqrt(D)
    s2 = 1.0 / np.sqrt(H)
    inp = {
        'x': x,
        'edge_index': edge_index,
        'batch': batch,
        'W1_0': jax.random.normal(ks[3], (D, H), dtype=jnp.float32) * s1,
        'b1_0': jnp.zeros((H,), dtype=jnp.float32),
        'W2_0': jax.random.normal(ks[4], (H, H), dtype=jnp.float32) * s2,
        'b2_0': jnp.zeros((H,), dtype=jnp.float32),
        'gamma_0': jnp.ones((H,), dtype=jnp.float32),
        'beta_0': jnp.zeros((H,), dtype=jnp.float32),
        'W1_1': jax.random.normal(ks[5], (H, H), dtype=jnp.float32) * s2,
        'b1_1': jnp.zeros((H,), dtype=jnp.float32),
        'W2_1': jax.random.normal(ks[6], (H, H), dtype=jnp.float32) * s2,
        'b2_1': jnp.zeros((H,), dtype=jnp.float32),
        'gamma_1': jnp.ones((H,), dtype=jnp.float32),
        'beta_1': jnp.zeros((H,), dtype=jnp.float32),
    }
    return inp


def reference(x, edge_index, batch, W1_0, b1_0, W2_0, b2_0, gamma_0, beta_0, W1_1, b1_1, W2_1, b2_1, gamma_1, beta_1):
    # GConv: n_layers GINConv(MLP) + BatchNorm1d (+ ReLU except last) blocks,
    # then per-layer global_add_pool and channel-wise concat.
    # Dropout is identity (eval mode). GIN eps = 0 (non-trainable default).
    src = edge_index[0]
    dst = edge_index[1]
    params = [
        (W1_0, b1_0, W2_0, b2_0, gamma_0, beta_0),
        (W1_1, b1_1, W2_1, b2_1, gamma_1, beta_1),
    ]
    n_layers = len(params)
    z = x
    zs = []
    for i, (W1, b1, W2, b2, gm, bt) in enumerate(params):
        # GIN aggregation: sum of neighbor features scattered to dst nodes
        agg = jnp.zeros((z.shape[0], z.shape[1]), dtype=z.dtype).at[dst].add(z[src])
        h = z + agg  # (1 + eps) * z + agg, eps = 0
        # MLP: Linear -> ReLU -> Linear
        h = jax.nn.relu(h @ W1 + b1) @ W2 + b2
        # BatchNorm1d (training-mode batch statistics)
        mean = jnp.mean(h, axis=0)
        var = jnp.var(h, axis=0)
        h = (h - mean) / jnp.sqrt(var + 1e-5) * gm + bt
        if i < n_layers - 1:
            h = jax.nn.relu(h)
        # dropout: identity in eval
        z = h
        zs.append(z)
    gs = [jax.ops.segment_sum(zz, batch, num_segments=G) for zz in zs]
    z_cat = jnp.concatenate(zs, axis=1)
    g_cat = jnp.concatenate(gs, axis=1)
    return (z_cat, g_cat)

if __name__ == "__main__":
    import jax
    _d = setup_inputs()
    print(jax.jit(kernel)(*tuple(_d.values())))

</pallas_src>

<mosaic_0001>
#map = affine_map<(d0, d1) -> (0, 0)>
#map1 = affine_map<(d0, d1) -> (0)>
#map2 = affine_map<(d0, d1) -> (0, 0, 0)>
module attributes {stable_mosaic.version = 14 : i64} {
  func.func @_agg_body(%arg0: i32, %arg1: i32, %arg2: memref<10000x128xf32, #tpu.memory_space<hbm>>, %arg3: memref<322560xi32, #tpu.memory_space<hbm>>, %arg4: memref<322560xi32, #tpu.memory_space<hbm>>, %arg5: memref<624x128xf32, #tpu.memory_space<hbm>>, %arg6: memref<2x10000x128xf32, #tpu.memory_space<hbm>>, %arg7: memref<10080xi32, #tpu.memory_space<vmem>>, %arg8: memref<10080xi32, #tpu.memory_space<vmem>>, %arg9: memref<240x128xf32, #tpu.memory_space<vmem>>, %arg10: memref<10008x128xf32, #tpu.memory_space<vmem_shared>>, %arg11: memref<!tpu.dma_semaphore, #tpu.memory_space<semaphore_mem>>, %arg12: memref<!tpu.dma_semaphore, #tpu.memory_space<semaphore_mem>>) attributes {dimension_semantics = [#tpu.dimension_semantics<core_parallel>, #tpu.dimension_semantics<subcore_parallel>], iteration_bounds = array<i64: 2, 16>, scalar_prefetch = 0 : i64, scratch_operands = 6 : i64, tpu.core_type = #tpu.core_type<sc_vector_subcore>, window_params = [{transform_indices = #map}, {transform_indices = #map1}, {transform_indices = #map1}, {transform_indices = #map}, {transform_indices = #map2}]} {
    %mul3A = arith.constant 2 : i32
    %mul3A_0 = arith.muli %arg1, %mul3A : i32
    %add3A = arith.addi %mul3A_0, %arg0 : i32
    %mul3A_1 = arith.constant 624 : i32
    %mul3A_2 = arith.muli %arg1, %mul3A_1 : i32
    "tpu.region"() ({
      %run_scoped3A = tpu.sem_alloc : memref<!tpu.dma_semaphore, #tpu.memory_space<semaphore_mem>>
      %dma_start3A_124 = arith.constant 0 : i32
      %dma_start3A_125 = tpu.memref_slice %arg10[%mul3A_2, %dma_start3A_124] : memref<10008x128xf32, #tpu.memory_space<vmem_shared>> -> memref<624x128xf32, #tpu.memory_space<vmem_shared>>
      tpu.enqueue_dma source(%arg5 : memref<624x128xf32, #tpu.memory_space<hbm>>) target(%dma_start3A_125 : memref<624x128xf32, #tpu.memory_space<vmem_shared>>) target_semaphore(%run_scoped3A : memref<!tpu.dma_semaphore, #tpu.memory_space<semaphore_mem>>)
      %dma_wait3A_126 = arith.constant 0 : i32
      %dma_wait3A_127 = tpu.memref_slice %arg10[%mul3A_2, %dma_wait3A_126] : memref<10008x128xf32, #tpu.memory_space<vmem_shared>> -> memref<624x128xf32, #tpu.memory_space<vmem_shared>>
      tpu.wait_dma2 semaphore(%run_scoped3A : memref<!tpu.dma_semaphore, #tpu.memory_space<semaphore_mem>>) src(%arg5 : memref<624x128xf32, #tpu.memory_space<hbm>>) dst(%dma_wait3A_127 : memref<624x128xf32, #tpu.memory_space<vmem_shared>>)
      tpu.yield
    }) : () -> ()
    %eq3A = arith.constant 15 : i32
    %eq3A_3 = arith.cmpi eq, %arg1, %eq3A : i32
    %convert_element_type3A = arith.extui %eq3A_3 : i1 to i32
    %cond3A = arith.constant 0 : i32
    %cond3A_4 = arith.cmpi ne, %convert_element_type3A, %cond3A : i32
    scf.if %cond3A_4 {
      "tpu.region"() ({
        %run_scoped3A = tpu.sem_alloc : memref<!tpu.dma_semaphore, #tpu.memory_space<semaphore_mem>>
        %dma_start3A_124 = arith.constant 9984 : i32
        %dma_start3A_125 = arith.constant 0 : i32
        %dma_start3A_126 = tpu.memref_slice %arg10[%dma_start3A_124, %dma_start3A_125] : memref<10008x128xf32, #tpu.memory_space<vmem_shared>> -> memref<24x128xf32, #tpu.memory_space<vmem_shared>>
        %dma_start3A_127 = arith.constant 0 : i32
        %dma_start3A_128 = arith.constant 0 : i32
        %dma_start3A_129 = tpu.memref_slice %arg5[%dma_start3A_127, %dma_start3A_128] : memref<624x128xf32, #tpu.memory_space<hbm>> -> memref<24x128xf32, #tpu.memory_space<hbm>>
        tpu.enqueue_dma source(%dma_start3A_129 : memref<24x128xf32, #tpu.memory_space<hbm>>) target(%dma_start3A_126 : memref<24x128xf32, #tpu.memory_space<vmem_shared>>) target_semaphore(%run_scoped3A : memref<!tpu.dma_semaphore, #tpu.memory_space<semaphore_mem>>)
        %dma_wait3A_130 = arith.constant 9984 : i32
        %dma_wait3A_131 = arith.constant 0 : i32
        %dma_wait3A_132 = tpu.memref_slice %arg10[%dma_wait3A_130, %dma_wait3A_131] : memref<10008x128xf32, #tpu.memory_space<vmem_shared>> -> memref<24x128xf32, #tpu.memory_space<vmem_shared>>
        %dma_wait3A_133 = arith.constant 0 : i32
        %dma_wait3A_134 = arith.constant 0 : i32
        %dma_wait3A_135 = tpu.memref_slice %arg5[%dma_wait3A_133, %dma_wait3A_134] : memref<624x128xf32, #tpu.memory_space<hbm>> -> memref<24x128xf32, #tpu.memory_space<hbm>>
        tpu.wait_dma2 semaphore(%run_scoped3A : memref<!tpu.dma_semaphore, #tpu.memory_space<semaphore_mem>>) src(%dma_wait3A_135 : memref<24x128xf32, #tpu.memory_space<hbm>>) dst(%dma_wait3A_132 : memref<24x128xf32, #tpu.memory_space<vmem_shared>>)
        tpu.yield
      }) : () -> ()
    } else {
    }
    %mul3A_5 = arith.constant 10080 : i32
    %mul3A_6 = arith.muli %add3A, %mul3A_5 : i32
    "tpu.region"() ({
      %run_scoped3A = tpu.sem_alloc : memref<!tpu.dma_semaphore, #tpu.memory_space<semaphore_mem>>
      %dma_start3A_124 = tpu.memref_slice %arg3[%mul3A_6] : memref<322560xi32, #tpu.memory_space<hbm>> -> memref<10080xi32, #tpu.memory_space<hbm>>
      %dma_start3A_125 = tpu.memref_slice %arg3[%mul3A_6] : memref<322560xi32, #tpu.memory_space<hbm>> -> memref<10080xi32, #tpu.memory_space<hbm>>
      tpu.enqueue_dma source(%dma_start3A_125 : memref<10080xi32, #tpu.memory_space<hbm>>) target(%arg7 : memref<10080xi32, #tpu.memory_space<vmem>>) target_semaphore(%run_scoped3A : memref<!tpu.dma_semaphore, #tpu.memory_space<semaphore_mem>>)
      %dma_wait3A_126 = tpu.memref_slice %arg3[%mul3A_6] : memref<322560xi32, #tpu.memory_space<hbm>> -> memref<10080xi32, #tpu.memory_space<hbm>>
      %dma_wait3A_127 = tpu.memref_slice %arg3[%mul3A_6] : memref<322560xi32, #tpu.memory_space<hbm>> -> memref<10080xi32, #tpu.memory_space<hbm>>
      tpu.wait_dma2 semaphore(%run_scoped3A : memref<!tpu.dma_semaphore, #tpu.memory_space<semaphore_mem>>) src(%dma_wait3A_127 : memref<10080xi32, #tpu.memory_space<hbm>>) dst(%arg7 : memref<10080xi32, #tpu.memory_space<vmem>>)
      tpu.yield
    }) : () -> ()
    %mul3A_7 = arith.constant 10080 : i32
    %mul3A_8 = arith.muli %add3A, %mul3A_7 : i32
    "tpu.region"() ({
      %run_scoped3A = tpu.sem_alloc : memref<!tpu.dma_semaphore, #tpu.memory_space<semaphore_mem>>
      %dma_start3A_124 = tpu.memref_slice %arg4[%mul3A_8] : memref<322560xi32, #tpu.memory_space<hbm>> -> memref<10080xi32, #tpu.memory_space<hbm>>
      %dma_start3A_125 = tpu.memref_slice %arg4[%mul3A_8] : memref<322560xi32, #tpu.memory_space<hbm>> -> memref<10080xi32, #tpu.memory_space<hbm>>
      tpu.enqueue_dma source(%dma_start3A_125 : memref<10080xi32, #tpu.memory_space<hbm>>) target(%arg8 : memref<10080xi32, #tpu.memory_space<vmem>>) target_semaphore(%run_scoped3A : memref<!tpu.dma_semaphore, #tpu.memory_space<semaphore_mem>>)
      %dma_wait3A_126 = tpu.memref_slice %arg4[%mul3A_8] : memref<322560xi32, #tpu.memory_space<hbm>> -> memref<10080xi32, #tpu.memory_space<hbm>>
      %dma_wait3A_127 = tpu.memref_slice %arg4[%mul3A_8] : memref<322560xi32, #tpu.memory_space<hbm>> -> memref<10080xi32, #tpu.memory_space<hbm>>
      tpu.wait_dma2 semaphore(%run_scoped3A : memref<!tpu.dma_semaphore, #tpu.memory_space<semaphore_mem>>) src(%dma_wait3A_127 : memref<10080xi32, #tpu.memory_space<hbm>>) dst(%arg8 : memref<10080xi32, #tpu.memory_space<vmem>>)
      tpu.yield
    }) : () -> ()
    %barrier3A = arith.constant 0 : index
    tpu.barrier barrier_id(%barrier3A)
    %rem3A = arith.constant 0 : i32
    %rem3A_9 = arith.constant 3 : i32
    %rem3A_10 = arith.remsi %rem3A, %rem3A_9 : i32
    %mul3A_11 = arith.constant 80 : i32
    %mul3A_12 = arith.muli %rem3A_10, %mul3A_11 : i32
    %multiple_of3A = tpu.assume_multiple %mul3A_12, 80 : i32
    %dma_start3A = arith.constant 0 : i32
    %dma_start3A_13 = tpu.memref_slice %arg9[%multiple_of3A, %dma_start3A] : memref<240x128xf32, #tpu.memory_space<vmem>> -> memref<80x128xf32, #tpu.memory_space<vmem>>
    %dma_start3A_14 = arith.constant 0 : i32
    %dma_start3A_15 = tpu.memref_slice %arg7[%dma_start3A_14] : memref<10080xi32, #tpu.memory_space<vmem>> -> memref<80xi32, #tpu.memory_space<vmem>>
    %dma_start3A_16 = arith.constant 0 : i32
    %dma_start3A_17 = arith.constant 0 : i32
    %dma_start3A_18 = tpu.memref_slice %arg2[%dma_start3A_16, %dma_start3A_17] : memref<10000x128xf32, #tpu.memory_space<hbm>> -> memref<10000x128xf32, #tpu.memory_space<hbm>>
    tpu.enqueue_indirect_dma source(%dma_start3A_18 : memref<10000x128xf32, #tpu.memory_space<hbm>>) target(%dma_start3A_13 : memref<80x128xf32, #tpu.memory_space<vmem>>) offsets(%dma_start3A_15 : memref<80xi32, #tpu.memory_space<vmem>>) semaphore(%arg11 : memref<!tpu.dma_semaphore, #tpu.memory_space<semaphore_mem>>)
    %rem3A_19 = arith.constant 1 : i32
    %rem3A_20 = arith.constant 3 : i32
    %rem3A_21 = arith.remsi %rem3A_19, %rem3A_20 : i32
    %mul3A_22 = arith.constant 80 : i32
    %mul3A_23 = arith.muli %rem3A_21, %mul3A_22 : i32
    %multiple_of3A_24 = tpu.assume_multiple %mul3A_23, 80 : i32
    %dma_start3A_25 = arith.constant 0 : i32
    %dma_start3A_26 = tpu.memref_slice %arg9[%multiple_of3A_24, %dma_start3A_25] : memref<240x128xf32, #tpu.memory_space<vmem>> -> memref<80x128xf32, #tpu.memory_space<vmem>>
    %dma_start3A_27 = arith.constant 80 : i32
    %dma_start3A_28 = tpu.memref_slice %arg7[%dma_start3A_27] : memref<10080xi32, #tpu.memory_space<vmem>> -> memref<80xi32, #tpu.memory_space<vmem>>
    %dma_start3A_29 = arith.constant 0 : i32
    %dma_start3A_30 = arith.constant 0 : i32
    %dma_start3A_31 = tpu.memref_slice %arg2[%dma_start3A_29, %dma_start3A_30] : memref<10000x128xf32, #tpu.memory_space<hbm>> -> memref<10000x128xf32, #tpu.memory_space<hbm>>
    tpu.enqueue_indirect_dma source(%dma_start3A_31 : memref<10000x128xf32, #tpu.memory_space<hbm>>) target(%dma_start3A_26 : memref<80x128xf32, #tpu.memory_space<vmem>>) offsets(%dma_start3A_28 : memref<80xi32, #tpu.memory_space<vmem>>) semaphore(%arg11 : memref<!tpu.dma_semaphore, #tpu.memory_space<semaphore_mem>>)
    %rem3A_32 = arith.constant 0 : i32
    %rem3A_33 = arith.constant 3 : i32
    %rem3A_34 = arith.remsi %rem3A_32, %rem3A_33 : i32
    %mul3A_35 = arith.constant 80 : i32
    %mul3A_36 = arith.muli %rem3A_34, %mul3A_35 : i32
    %multiple_of3A_37 = tpu.assume_multiple %mul3A_36, 80 : i32
    %dma_wait3A = arith.constant 0 : i32
    %dma_wait3A_38 = tpu.memref_slice %arg9[%multiple_of3A_37, %dma_wait3A] : memref<240x128xf32, #tpu.memory_space<vmem>> -> memref<80x128xf32, #tpu.memory_space<vmem>>
    %dma_wait3A_39 = arith.constant 0 : i32
    %dma_wait3A_40 = tpu.memref_slice %arg7[%dma_wait3A_39] : memref<10080xi32, #tpu.memory_space<vmem>> -> memref<80xi32, #tpu.memory_space<vmem>>
    %dma_wait3A_41 = arith.constant 0 : i32
    %dma_wait3A_42 = arith.constant 0 : i32
    %dma_wait3A_43 = tpu.memref_slice %arg2[%dma_wait3A_41, %dma_wait3A_42] : memref<10000x128xf32, #tpu.memory_space<hbm>> -> memref<10000x128xf32, #tpu.memory_space<hbm>>
    tpu.wait_indirect_dma semaphore(%arg11 : memref<!tpu.dma_semaphore, #tpu.memory_space<semaphore_mem>>) src(%dma_wait3A_43 : memref<10000x128xf32, #tpu.memory_space<hbm>>) dst(%dma_wait3A_38 : memref<80x128xf32, #tpu.memory_space<vmem>>)
    %rem3A_44 = arith.constant 2 : i32
    %rem3A_45 = arith.constant 3 : i32
    %rem3A_46 = arith.remsi %rem3A_44, %rem3A_45 : i32
    %mul3A_47 = arith.constant 80 : i32
    %mul3A_48 = arith.muli %rem3A_46, %mul3A_47 : i32
    %multiple_of3A_49 = tpu.assume_multiple %mul3A_48, 80 : i32
    %dma_start3A_50 = arith.constant 0 : i32
    %dma_start3A_51 = tpu.memref_slice %arg9[%multiple_of3A_49, %dma_start3A_50] : memref<240x128xf32, #tpu.memory_space<vmem>> -> memref<80x128xf32, #tpu.memory_space<vmem>>
    %dma_start3A_52 = arith.constant 160 : i32
    %dma_start3A_53 = tpu.memref_slice %arg7[%dma_start3A_52] : memref<10080xi32, #tpu.memory_space<vmem>> -> memref<80xi32, #tpu.memory_space<vmem>>
    %dma_start3A_54 = arith.constant 0 : i32
    %dma_start3A_55 = arith.constant 0 : i32
    %dma_start3A_56 = tpu.memref_slice %arg2[%dma_start3A_54, %dma_start3A_55] : memref<10000x128xf32, #tpu.memory_space<hbm>> -> memref<10000x128xf32, #tpu.memory_space<hbm>>
    tpu.enqueue_indirect_dma source(%dma_start3A_56 : memref<10000x128xf32, #tpu.memory_space<hbm>>) target(%dma_start3A_51 : memref<80x128xf32, #tpu.memory_space<vmem>>) offsets(%dma_start3A_53 : memref<80xi32, #tpu.memory_space<vmem>>) semaphore(%arg11 : memref<!tpu.dma_semaphore, #tpu.memory_space<semaphore_mem>>)
    %rem3A_57 = arith.constant 0 : i32
    %rem3A_58 = arith.constant 3 : i32
    %rem3A_59 = arith.remsi %rem3A_57, %rem3A_58 : i32
    %mul3A_60 = arith.constant 80 : i32
    %mul3A_61 = arith.muli %rem3A_59, %mul3A_60 : i32
    %multiple_of3A_62 = tpu.assume_multiple %mul3A_61, 80 : i32
    %dma_start3A_63 = arith.constant 0 : i32
    %dma_start3A_64 = tpu.memref_slice %arg9[%multiple_of3A_62, %dma_start3A_63] : memref<240x128xf32, #tpu.memory_space<vmem>> -> memref<80x128xf32, #tpu.memory_space<vmem>>
    %dma_start3A_65 = arith.constant 0 : i32
    %dma_start3A_66 = tpu.memref_slice %arg8[%dma_start3A_65] : memref<10080xi32, #tpu.memory_space<vmem>> -> memref<80xi32, #tpu.memory_space<vmem>>
    %dma_start3A_67 = arith.constant 0 : i32
    %dma_start3A_68 = arith.constant 0 : i32
    %dma_start3A_69 = tpu.memref_slice %arg10[%dma_start3A_67, %dma_start3A_68] : memref<10008x128xf32, #tpu.memory_space<vmem_shared>> -> memref<10008x128xf32, #tpu.memory_space<vmem_shared>>
    tpu.enqueue_indirect_dma source(%dma_start3A_64 : memref<80x128xf32, #tpu.memory_space<vmem>>) target(%dma_start3A_69 : memref<10008x128xf32, #tpu.memory_space<vmem_shared>>) offsets(%dma_start3A_66 : memref<80xi32, #tpu.memory_space<vmem>>) semaphore(%arg12 : memref<!tpu.dma_semaphore, #tpu.memory_space<semaphore_mem>>) {add = true}
    %scan3A = arith.constant 0 : i32
    %scan3A_70 = arith.constant 1 : i32
    %scan3A_71 = arith.constant 125 : i32
    %scan3A_72 = arith.addi %scan3A_70, %scan3A_71 : i32
    %scan3A_73 = arith.constant 1 : i32
    scf.for %scan3A_124 = %scan3A_70 to %scan3A_72 step %scan3A_73  : i32 {
      %rem3A_125 = arith.constant 3 : i32
      %rem3A_126 = arith.remsi %scan3A_124, %rem3A_125 : i32
      %mul3A_127 = arith.constant 80 : i32
      %mul3A_128 = arith.muli %rem3A_126, %mul3A_127 : i32
      %multiple_of3A_129 = tpu.assume_multiple %mul3A_128, 80 : i32
      %dma_wait3A_130 = arith.constant 0 : i32
      %dma_wait3A_131 = tpu.memref_slice %arg9[%multiple_of3A_129, %dma_wait3A_130] : memref<240x128xf32, #tpu.memory_space<vmem>> -> memref<80x128xf32, #tpu.memory_space<vmem>>
      %dma_wait3A_132 = arith.constant 0 : i32
      %dma_wait3A_133 = tpu.memref_slice %arg7[%dma_wait3A_132] : memref<10080xi32, #tpu.memory_space<vmem>> -> memref<80xi32, #tpu.memory_space<vmem>>
      %dma_wait3A_134 = arith.constant 0 : i32
      %dma_wait3A_135 = arith.constant 0 : i32
      %dma_wait3A_136 = tpu.memref_slice %arg2[%dma_wait3A_134, %dma_wait3A_135] : memref<10000x128xf32, #tpu.memory_space<hbm>> -> memref<10000x128xf32, #tpu.memory_space<hbm>>
      tpu.wait_indirect_dma semaphore(%arg11 : memref<!tpu.dma_semaphore, #tpu.memory_space<semaphore_mem>>) src(%dma_wait3A_136 : memref<10000x128xf32, #tpu.memory_space<hbm>>) dst(%dma_wait3A_131 : memref<80x128xf32, #tpu.memory_space<vmem>>)
      %sub3A = arith.constant 1 : i32
      %sub3A_137 = arith.subi %scan3A_124, %sub3A : i32
      %sub3A_138 = arith.constant 1 : i32
      %sub3A_139 = arith.subi %scan3A_124, %sub3A_138 : i32
      %rem3A_140 = arith.constant 3 : i32
      %rem3A_141 = arith.remsi %sub3A_139, %rem3A_140 : i32
      %mul3A_142 = arith.constant 80 : i32
      %mul3A_143 = arith.muli %rem3A_141, %mul3A_142 : i32
      %multiple_of3A_144 = tpu.assume_multiple %mul3A_143, 80 : i32
      %mul3A_145 = arith.constant 80 : i32
      %mul3A_146 = arith.muli %sub3A_137, %mul3A_145 : i32
      %dma_wait3A_147 = arith.constant 0 : i32
      %dma_wait3A_148 = tpu.memref_slice %arg9[%multiple_of3A_144, %dma_wait3A_147] : memref<240x128xf32, #tpu.memory_space<vmem>> -> memref<80x128xf32, #tpu.memory_space<vmem>>
      %dma_wait3A_149 = tpu.memref_slice %arg8[%mul3A_146] : memref<10080xi32, #tpu.memory_space<vmem>> -> memref<80xi32, #tpu.memory_space<vmem>>
      %dma_wait3A_150 = arith.constant 0 : i32
      %dma_wait3A_151 = arith.constant 0 : i32
      %dma_wait3A_152 = tpu.memref_slice %arg10[%dma_wait3A_150, %dma_wait3A_151] : memref<10008x128xf32, #tpu.memory_space<vmem_shared>> -> memref<10008x128xf32, #tpu.memory_space<vmem_shared>>
      tpu.wait_indirect_dma semaphore(%arg12 : memref<!tpu.dma_semaphore, #tpu.memory_space<semaphore_mem>>) src(%dma_wait3A_148 : memref<80x128xf32, #tpu.memory_space<vmem>>) dst(%dma_wait3A_152 : memref<10008x128xf32, #tpu.memory_space<vmem_shared>>)
      %add3A_153 = arith.constant 2 : i32
      %add3A_154 = arith.addi %scan3A_124, %add3A_153 : i32
      %min3A = arith.constant 125 : i32
      %min3A_155 = arith.minsi %add3A_154, %min3A : i32
      %add3A_156 = arith.constant 2 : i32
      %add3A_157 = arith.addi %scan3A_124, %add3A_156 : i32
      %rem3A_158 = arith.constant 3 : i32
      %rem3A_159 = arith.remsi %add3A_157, %rem3A_158 : i32
      %mul3A_160 = arith.constant 80 : i32
      %mul3A_161 = arith.muli %rem3A_159, %mul3A_160 : i32
      %multiple_of3A_162 = tpu.assume_multiple %mul3A_161, 80 : i32
      %mul3A_163 = arith.constant 80 : i32
      %mul3A_164 = arith.muli %min3A_155, %mul3A_163 : i32
      %dma_start3A_165 = arith.constant 0 : i32
      %dma_start3A_166 = tpu.memref_slice %arg9[%multiple_of3A_162, %dma_start3A_165] : memref<240x128xf32, #tpu.memory_space<vmem>> -> memref<80x128xf32, #tpu.memory_space<vmem>>
      %dma_start3A_167 = tpu.memref_slice %arg7[%mul3A_164] : memref<10080xi32, #tpu.memory_space<vmem>> -> memref<80xi32, #tpu.memory_space<vmem>>
      %dma_start3A_168 = arith.constant 0 : i32
      %dma_start3A_169 = arith.constant 0 : i32
      %dma_start3A_170 = tpu.memref_slice %arg2[%dma_start3A_168, %dma_start3A_169] : memref<10000x128xf32, #tpu.memory_space<hbm>> -> memref<10000x128xf32, #tpu.memory_space<hbm>>
      tpu.enqueue_indirect_dma source(%dma_start3A_170 : memref<10000x128xf32, #tpu.memory_space<hbm>>) target(%dma_start3A_166 : memref<80x128xf32, #tpu.memory_space<vmem>>) offsets(%dma_start3A_167 : memref<80xi32, #tpu.memory_space<vmem>>) semaphore(%arg11 : memref<!tpu.dma_semaphore, #tpu.memory_space<semaphore_mem>>)
      %rem3A_171 = arith.constant 3 : i32
      %rem3A_172 = arith.remsi %scan3A_124, %rem3A_171 : i32
      %mul3A_173 = arith.constant 80 : i32
      %mul3A_174 = arith.muli %rem3A_172, %mul3A_173 : i32
      %multiple_of3A_175 = tpu.assume_multiple %mul3A_174, 80 : i32
      %mul3A_176 = arith.constant 80 : i32
      %mul3A_177 = arith.muli %scan3A_124, %mul3A_176 : i32
      %dma_start3A_178 = arith.constant 0 : i32
      %dma_start3A_179 = tpu.memref_slice %arg9[%multiple_of3A_175, %dma_start3A_178] : memref<240x128xf32, #tpu.memory_space<vmem>> -> memref<80x128xf32, #tpu.memory_space<vmem>>
      %dma_start3A_180 = tpu.memref_slice %arg8[%mul3A_177] : memref<10080xi32, #tpu.memory_space<vmem>> -> memref<80xi32, #tpu.memory_space<vmem>>
      %dma_start3A_181 = arith.constant 0 : i32
      %dma_start3A_182 = arith.constant 0 : i32
      %dma_start3A_183 = tpu.memref_slice %arg10[%dma_start3A_181, %dma_start3A_182] : memref<10008x128xf32, #tpu.memory_space<vmem_shared>> -> memref<10008x128xf32, #tpu.memory_space<vmem_shared>>
      tpu.enqueue_indirect_dma source(%dma_start3A_179 : memref<80x128xf32, #tpu.memory_space<vmem>>) target(%dma_start3A_183 : memref<10008x128xf32, #tpu.memory_space<vmem_shared>>) offsets(%dma_start3A_180 : memref<80xi32, #tpu.memory_space<vmem>>) semaphore(%arg12 : memref<!tpu.dma_semaphore, #tpu.memory_space<semaphore_mem>>) {add = true}
    }
    %scan3A_74 = arith.constant 125 : i32
    %rem3A_75 = arith.constant 126 : i32
    %rem3A_76 = arith.constant 3 : i32
    %rem3A_77 = arith.remsi %rem3A_75, %rem3A_76 : i32
    %mul3A_78 = arith.constant 80 : i32
    %mul3A_79 = arith.muli %rem3A_77, %mul3A_78 : i32
    %multiple_of3A_80 = tpu.assume_multiple %mul3A_79, 80 : i32
    %dma_wait3A_81 = arith.constant 0 : i32
    %dma_wait3A_82 = tpu.memref_slice %arg9[%multiple_of3A_80, %dma_wait3A_81] : memref<240x128xf32, #tpu.memory_space<vmem>> -> memref<80x128xf32, #tpu.memory_space<vmem>>
    %dma_wait3A_83 = arith.constant 0 : i32
    %dma_wait3A_84 = tpu.memref_slice %arg7[%dma_wait3A_83] : memref<10080xi32, #tpu.memory_space<vmem>> -> memref<80xi32, #tpu.memory_space<vmem>>
    %dma_wait3A_85 = arith.constant 0 : i32
    %dma_wait3A_86 = arith.constant 0 : i32
    %dma_wait3A_87 = tpu.memref_slice %arg2[%dma_wait3A_85, %dma_wait3A_86] : memref<10000x128xf32, #tpu.memory_space<hbm>> -> memref<10000x128xf32, #tpu.memory_space<hbm>>
    tpu.wait_indirect_dma semaphore(%arg11 : memref<!tpu.dma_semaphore, #tpu.memory_space<semaphore_mem>>) src(%dma_wait3A_87 : memref<10000x128xf32, #tpu.memory_space<hbm>>) dst(%dma_wait3A_82 : memref<80x128xf32, #tpu.memory_space<vmem>>)
    %rem3A_88 = arith.constant 127 : i32
    %rem3A_89 = arith.constant 3 : i32
    %rem3A_90 = arith.remsi %rem3A_88, %rem3A_89 : i32
    %mul3A_91 = arith.constant 80 : i32
    %mul3A_92 = arith.muli %rem3A_90, %mul3A_91 : i32
    %multiple_of3A_93 = tpu.assume_multiple %mul3A_92, 80 : i32
    %dma_wait3A_94 = arith.constant 0 : i32
    %dma_wait3A_95 = tpu.memref_slice %arg9[%multiple_of3A_93, %dma_wait3A_94] : memref<240x128xf32, #tpu.memory_space<vmem>> -> memref<80x128xf32, #tpu.memory_space<vmem>>
    %dma_wait3A_96 = arith.constant 0 : i32
    %dma_wait3A_97 = tpu.memref_slice %arg7[%dma_wait3A_96] : memref<10080xi32, #tpu.memory_space<vmem>> -> memref<80xi32, #tpu.memory_space<vmem>>
    %dma_wait3A_98 = arith.constant 0 : i32
    %dma_wait3A_99 = arith.constant 0 : i32
    %dma_wait3A_100 = tpu.memref_slice %arg2[%dma_wait3A_98, %dma_wait3A_99] : memref<10000x128xf32, #tpu.memory_space<hbm>> -> memref<10000x128xf32, #tpu.memory_space<hbm>>
    tpu.wait_indirect_dma semaphore(%arg11 : memref<!tpu.dma_semaphore, #tpu.memory_space<semaphore_mem>>) src(%dma_wait3A_100 : memref<10000x128xf32, #tpu.memory_space<hbm>>) dst(%dma_wait3A_95 : memref<80x128xf32, #tpu.memory_space<vmem>>)
    %rem3A_101 = arith.constant 125 : i32
    %rem3A_102 = arith.constant 3 : i32
    %rem3A_103 = arith.remsi %rem3A_101, %rem3A_102 : i32
    %mul3A_104 = arith.constant 80 : i32
    %mul3A_105 = arith.muli %rem3A_103, %mul3A_104 : i32
    %multiple_of3A_106 = tpu.assume_multiple %mul3A_105, 80 : i32
    %dma_wait3A_107 = arith.constant 0 : i32
    %dma_wait3A_108 = tpu.memref_slice %arg9[%multiple_of3A_106, %dma_wait3A_107] : memref<240x128xf32, #tpu.memory_space<vmem>> -> memref<80x128xf32, #tpu.memory_space<vmem>>
    %dma_wait3A_109 = arith.constant 10000 : i32
    %dma_wait3A_110 = tpu.memref_slice %arg8[%dma_wait3A_109] : memref<10080xi32, #tpu.memory_space<vmem>> -> memref<80xi32, #tpu.memory_space<vmem>>
    %dma_wait3A_111 = arith.constant 0 : i32
    %dma_wait3A_112 = arith.constant 0 : i32
    %dma_wait3A_113 = tpu.memref_slice %arg10[%dma_wait3A_111, %dma_wait3A_112] : memref<10008x128xf32, #tpu.memory_space<vmem_shared>> -> memref<10008x128xf32, #tpu.memory_space<vmem_shared>>
    tpu.wait_indirect_dma semaphore(%arg12 : memref<!tpu.dma_semaphore, #tpu.memory_space<semaphore_mem>>) src(%dma_wait3A_108 : memref<80x128xf32, #tpu.memory_space<vmem>>) dst(%dma_wait3A_113 : memref<10008x128xf32, #tpu.memory_space<vmem_shared>>)
    %barrier3A_114 = arith.constant 0 : index
    tpu.barrier barrier_id(%barrier3A_114)
    %mul3A_115 = arith.constant 624 : i32
    %mul3A_116 = arith.muli %arg1, %mul3A_115 : i32
    %mul3A_117 = arith.constant 624 : i32
    %mul3A_118 = arith.muli %arg1, %mul3A_117 : i32
    "tpu.region"() ({
      %run_scoped3A = tpu.sem_alloc : memref<!tpu.dma_semaphore, #tpu.memory_space<semaphore_mem>>
      %dma_start3A_124 = arith.constant 0 : i32
      %dma_start3A_125 = tpu.memref_slice %arg6[%arg0, %mul3A_118, %dma_start3A_124] : memref<2x10000x128xf32, #tpu.memory_space<hbm>> -> memref<1x624x128xf32, #tpu.memory_space<hbm>>
      %dma_start3A_126 = tpu.memref_squeeze %dma_start3A_125 : memref<1x624x128xf32, #tpu.memory_space<hbm>> -> memref<624x128xf32, #tpu.memory_space<hbm>>
      %dma_start3A_127 = arith.constant 0 : i32
      %dma_start3A_128 = tpu.memref_slice %arg10[%mul3A_116, %dma_start3A_127] : memref<10008x128xf32, #tpu.memory_space<vmem_shared>> -> memref<624x128xf32, #tpu.memory_space<vmem_shared>>
      tpu.enqueue_dma source(%dma_start3A_128 : memref<624x128xf32, #tpu.memory_space<vmem_shared>>) target(%dma_start3A_126 : memref<624x128xf32, #tpu.memory_space<hbm>>) target_semaphore(%run_scoped3A : memref<!tpu.dma_semaphore, #tpu.memory_space<semaphore_mem>>)
      %dma_wait3A_129 = arith.constant 0 : i32
      %dma_wait3A_130 = tpu.memref_slice %arg6[%arg0, %mul3A_118, %dma_wait3A_129] : memref<2x10000x128xf32, #tpu.memory_space<hbm>> -> memref<1x624x128xf32, #tpu.memory_space<hbm>>
      %dma_wait3A_131 = tpu.memref_squeeze %dma_wait3A_130 : memref<1x624x128xf32, #tpu.memory_space<hbm>> -> memref<624x128xf32, #tpu.memory_space<hbm>>
      %dma_wait3A_132 = arith.constant 0 : i32
      %dma_wait3A_133 = tpu.memref_slice %arg10[%mul3A_116, %dma_wait3A_132] : memref<10008x128xf32, #tpu.memory_space<vmem_shared>> -> memref<624x128xf32, #tpu.memory_space<vmem_shared>>
      tpu.wait_dma2 semaphore(%run_scoped3A : memref<!tpu.dma_semaphore, #tpu.memory_space<semaphore_mem>>) src(%dma_wait3A_133 : memref<624x128xf32, #tpu.memory_space<vmem_shared>>) dst(%dma_wait3A_131 : memref<624x128xf32, #tpu.memory_space<hbm>>)
      tpu.yield
    }) : () -> ()
    %eq3A_119 = arith.constant 15 : i32
    %eq3A_120 = arith.cmpi eq, %arg1, %eq3A_119 : i32
    %convert_element_type3A_121 = arith.extui %eq3A_120 : i1 to i32
    %cond3A_122 = arith.constant 0 : i32
    %cond3A_123 = arith.cmpi ne, %convert_element_type3A_121, %cond3A_122 : i32
    scf.if %cond3A_123 {
      "tpu.region"() ({
        %run_scoped3A = tpu.sem_alloc : memref<!tpu.dma_semaphore, #tpu.memory_space<semaphore_mem>>
        %dma_start3A_124 = arith.constant 9984 : i32
        %dma_start3A_125 = arith.constant 0 : i32
        %dma_start3A_126 = tpu.memref_slice %arg6[%arg0, %dma_start3A_124, %dma_start3A_125] : memref<2x10000x128xf32, #tpu.memory_space<hbm>> -> memref<1x16x128xf32, #tpu.memory_space<hbm>>
        %dma_start3A_127 = tpu.memref_squeeze %dma_start3A_126 : memref<1x16x128xf32, #tpu.memory_space<hbm>> -> memref<16x128xf32, #tpu.memory_space<hbm>>
        %dma_start3A_128 = arith.constant 9984 : i32
        %dma_start3A_129 = arith.constant 0 : i32
        %dma_start3A_130 = tpu.memref_slice %arg10[%dma_start3A_128, %dma_start3A_129] : memref<10008x128xf32, #tpu.memory_space<vmem_shared>> -> memref<16x128xf32, #tpu.memory_space<vmem_shared>>
        tpu.enqueue_dma source(%dma_start3A_130 : memref<16x128xf32, #tpu.memory_space<vmem_shared>>) target(%dma_start3A_127 : memref<16x128xf32, #tpu.memory_space<hbm>>) target_semaphore(%run_scoped3A : memref<!tpu.dma_semaphore, #tpu.memory_space<semaphore_mem>>)
        %dma_wait3A_131 = arith.constant 9984 : i32
        %dma_wait3A_132 = arith.constant 0 : i32
        %dma_wait3A_133 = tpu.memref_slice %arg6[%arg0, %dma_wait3A_131, %dma_wait3A_132] : memref<2x10000x128xf32, #tpu.memory_space<hbm>> -> memref<1x16x128xf32, #tpu.memory_space<hbm>>
        %dma_wait3A_134 = tpu.memref_squeeze %dma_wait3A_133 : memref<1x16x128xf32, #tpu.memory_space<hbm>> -> memref<16x128xf32, #tpu.memory_space<hbm>>
        %dma_wait3A_135 = arith.constant 9984 : i32
        %dma_wait3A_136 = arith.constant 0 : i32
        %dma_wait3A_137 = tpu.memref_slice %arg10[%dma_wait3A_135, %dma_wait3A_136] : memref<10008x128xf32, #tpu.memory_space<vmem_shared>> -> memref<16x128xf32, #tpu.memory_space<vmem_shared>>
        tpu.wait_dma2 semaphore(%run_scoped3A : memref<!tpu.dma_semaphore, #tpu.memory_space<semaphore_mem>>) src(%dma_wait3A_137 : memref<16x128xf32, #tpu.memory_space<vmem_shared>>) dst(%dma_wait3A_134 : memref<16x128xf32, #tpu.memory_space<hbm>>)
        tpu.yield
      }) : () -> ()
    } else {
    }
    return
  }
}

#map = affine_map<(d0, d1) -> (0, 0)>
#map1 = affine_map<(d0, d1) -> (0)>
#map2 = affine_map<(d0, d1) -> (0, 0, 0)>
module attributes {stable_mosaic.version = 14 : i64} {
  func.func @_agg_body(%arg0: i32, %arg1: i32, %arg2: memref<10000x128xf32, #tpu.memory_space<hbm>>, %arg3: memref<322560xi32, #tpu.memory_space<hbm>>, %arg4: memref<322560xi32, #tpu.memory_space<hbm>>, %arg5: memref<624x128xf32, #tpu.memory_space<hbm>>, %arg6: memref<2x10000x128xf32, #tpu.memory_space<hbm>>, %arg7: memref<10080xi32, #tpu.memory_space<vmem>>, %arg8: memref<10080xi32, #tpu.memory_space<vmem>>, %arg9: memref<240x128xf32, #tpu.memory_space<vmem>>, %arg10: memref<10008x128xf32, #tpu.memory_space<vmem_shared>>, %arg11: memref<!tpu.dma_semaphore, #tpu.memory_space<semaphore_mem>>, %arg12: memref<!tpu.dma_semaphore, #tpu.memory_space<semaphore_mem>>) attributes {dimension_semantics = [#tpu.dimension_semantics<core_parallel>, #tpu.dimension_semantics<subcore_parallel>], iteration_bounds = array<i64: 2, 16>, scalar_prefetch = 0 : i64, scratch_operands = 6 : i64, tpu.core_type = #tpu.core_type<sc_vector_subcore>, window_params = [{transform_indices = #map}, {transform_indices = #map1}, {transform_indices = #map1}, {transform_indices = #map}, {transform_indices = #map2}]} {
    %mul3A = arith.constant 2 : i32
    %mul3A_0 = arith.muli %arg1, %mul3A : i32
    %add3A = arith.addi %mul3A_0, %arg0 : i32
    %mul3A_1 = arith.constant 624 : i32
    %mul3A_2 = arith.muli %arg1, %mul3A_1 : i32
    "tpu.region"() ({
      %run_scoped3A = tpu.sem_alloc : memref<!tpu.dma_semaphore, #tpu.memory_space<semaphore_mem>>
      %dma_start3A_124 = arith.constant 0 : i32
      %dma_start3A_125 = tpu.memref_slice %arg10[%mul3A_2, %dma_start3A_124] : memref<10008x128xf32, #tpu.memory_space<vmem_shared>> -> memref<624x128xf32, #tpu.memory_space<vmem_shared>>
      tpu.enqueue_dma source(%arg5 : memref<624x128xf32, #tpu.memory_space<hbm>>) target(%dma_start3A_125 : memref<624x128xf32, #tpu.memory_space<vmem_shared>>) target_semaphore(%run_scoped3A : memref<!tpu.dma_semaphore, #tpu.memory_space<semaphore_mem>>)
      %dma_wait3A_126 = arith.constant 0 : i32
      %dma_wait3A_127 = tpu.memref_slice %arg10[%mul3A_2, %dma_wait3A_126] : memref<10008x128xf32, #tpu.memory_space<vmem_shared>> -> memref<624x128xf32, #tpu.memory_space<vmem_shared>>
      tpu.wait_dma2 semaphore(%run_scoped3A : memref<!tpu.dma_semaphore, #tpu.memory_space<semaphore_mem>>) src(%arg5 : memref<624x128xf32, #tpu.memory_space<hbm>>) dst(%dma_wait3A_127 : memref<624x128xf32, #tpu.memory_space<vmem_shared>>)
      tpu.yield
    }) : () -> ()
    %eq3A = arith.constant 15 : i32
    %eq3A_3 = arith.cmpi eq, %arg1, %eq3A : i32
    %convert_element_type3A = arith.extui %eq3A_3 : i1 to i32
    %cond3A = arith.constant 0 : i32
    %cond3A_4 = arith.cmpi ne, %convert_element_type3A, %cond3A : i32
    scf.if %cond3A_4 {
      "tpu.region"() ({
        %run_scoped3A = tpu.sem_alloc : memref<!tpu.dma_semaphore, #tpu.memory_space<semaphore_mem>>
        %dma_start3A_124 = arith.constant 9984 : i32
        %dma_start3A_125 = arith.constant 0 : i32
        %dma_start3A_126 = tpu.memref_slice %arg10[%dma_start3A_124, %dma_start3A_125] : memref<10008x128xf32, #tpu.memory_space<vmem_shared>> -> memref<24x128xf32, #tpu.memory_space<vmem_shared>>
        %dma_start3A_127 = arith.constant 0 : i32
        %dma_start3A_128 = arith.constant 0 : i32
        %dma_start3A_129 = tpu.memref_slice %arg5[%dma_start3A_127, %dma_start3A_128] : memref<624x128xf32, #tpu.memory_space<hbm>> -> memref<24x128xf32, #tpu.memory_space<hbm>>
        tpu.enqueue_dma source(%dma_start3A_129 : memref<24x128xf32, #tpu.memory_space<hbm>>) target(%dma_start3A_126 : memref<24x128xf32, #tpu.memory_space<vmem_shared>>) target_semaphore(%run_scoped3A : memref<!tpu.dma_semaphore, #tpu.memory_space<semaphore_mem>>)
        %dma_wait3A_130 = arith.constant 9984 : i32
        %dma_wait3A_131 = arith.constant 0 : i32
        %dma_wait3A_132 = tpu.memref_slice %arg10[%dma_wait3A_130, %dma_wait3A_131] : memref<10008x128xf32, #tpu.memory_space<vmem_shared>> -> memref<24x128xf32, #tpu.memory_space<vmem_shared>>
        %dma_wait3A_133 = arith.constant 0 : i32
        %dma_wait3A_134 = arith.constant 0 : i32
        %dma_wait3A_135 = tpu.memref_slice %arg5[%dma_wait3A_133, %dma_wait3A_134] : memref<624x128xf32, #tpu.memory_space<hbm>> -> memref<24x128xf32, #tpu.memory_space<hbm>>
        tpu.wait_dma2 semaphore(%run_scoped3A : memref<!tpu.dma_semaphore, #tpu.memory_space<semaphore_mem>>) src(%dma_wait3A_135 : memref<24x128xf32, #tpu.memory_space<hbm>>) dst(%dma_wait3A_132 : memref<24x128xf32, #tpu.memory_space<vmem_shared>>)
        tpu.yield
      }) : () -> ()
    } else {
    }
    %mul3A_5 = arith.constant 10080 : i32
    %mul3A_6 = arith.muli %add3A, %mul3A_5 : i32
    "tpu.region"() ({
      %run_scoped3A = tpu.sem_alloc : memref<!tpu.dma_semaphore, #tpu.memory_space<semaphore_mem>>
      %dma_start3A_124 = tpu.memref_slice %arg3[%mul3A_6] : memref<322560xi32, #tpu.memory_space<hbm>> -> memref<10080xi32, #tpu.memory_space<hbm>>
      %dma_start3A_125 = tpu.memref_slice %arg3[%mul3A_6] : memref<322560xi32, #tpu.memory_space<hbm>> -> memref<10080xi32, #tpu.memory_space<hbm>>
      tpu.enqueue_dma source(%dma_start3A_125 : memref<10080xi32, #tpu.memory_space<hbm>>) target(%arg7 : memref<10080xi32, #tpu.memory_space<vmem>>) target_semaphore(%run_scoped3A : memref<!tpu.dma_semaphore, #tpu.memory_space<semaphore_mem>>)
      %dma_wait3A_126 = tpu.memref_slice %arg3[%mul3A_6] : memref<322560xi32, #tpu.memory_space<hbm>> -> memref<10080xi32, #tpu.memory_space<hbm>>
      %dma_wait3A_127 = tpu.memref_slice %arg3[%mul3A_6] : memref<322560xi32, #tpu.memory_space<hbm>> -> memref<10080xi32, #tpu.memory_space<hbm>>
      tpu.wait_dma2 semaphore(%run_scoped3A : memref<!tpu.dma_semaphore, #tpu.memory_space<semaphore_mem>>) src(%dma_wait3A_127 : memref<10080xi32, #tpu.memory_space<hbm>>) dst(%arg7 : memref<10080xi32, #tpu.memory_space<vmem>>)
      tpu.yield
    }) : () -> ()
    %mul3A_7 = arith.constant 10080 : i32
    %mul3A_8 = arith.muli %add3A, %mul3A_7 : i32
    "tpu.region"() ({
      %run_scoped3A = tpu.sem_alloc : memref<!tpu.dma_semaphore, #tpu.memory_space<semaphore_mem>>
      %dma_start3A_124 = tpu.memref_slice %arg4[%mul3A_8] : memref<322560xi32, #tpu.memory_space<hbm>> -> memref<10080xi32, #tpu.memory_space<hbm>>
      %dma_start3A_125 = tpu.memref_slice %arg4[%mul3A_8] : memref<322560xi32, #tpu.memory_space<hbm>> -> memref<10080xi32, #tpu.memory_space<hbm>>
      tpu.enqueue_dma source(%dma_start3A_125 : memref<10080xi32, #tpu.memory_space<hbm>>) target(%arg8 : memref<10080xi32, #tpu.memory_space<vmem>>) target_semaphore(%run_scoped3A : memref<!tpu.dma_semaphore, #tpu.memory_space<semaphore_mem>>)
      %dma_wait3A_126 = tpu.memref_slice %arg4[%mul3A_8] : memref<322560xi32, #tpu.memory_space<hbm>> -> memref<10080xi32, #tpu.memory_space<hbm>>
      %dma_wait3A_127 = tpu.memref_slice %arg4[%mul3A_8] : memref<322560xi32, #tpu.memory_space<hbm>> -> memref<10080xi32, #tpu.memory_space<hbm>>
      tpu.wait_dma2 semaphore(%run_scoped3A : memref<!tpu.dma_semaphore, #tpu.memory_space<semaphore_mem>>) src(%dma_wait3A_127 : memref<10080xi32, #tpu.memory_space<hbm>>) dst(%arg8 : memref<10080xi32, #tpu.memory_space<vmem>>)
      tpu.yield
    }) : () -> ()
    %barrier3A = arith.constant 0 : index
    tpu.barrier barrier_id(%barrier3A)
    %rem3A = arith.constant 0 : i32
    %rem3A_9 = arith.constant 3 : i32
    %rem3A_10 = arith.remsi %rem3A, %rem3A_9 : i32
    %mul3A_11 = arith.constant 80 : i32
    %mul3A_12 = arith.muli %rem3A_10, %mul3A_11 : i32
    %multiple_of3A = tpu.assume_multiple %mul3A_12, 80 : i32
    %dma_start3A = arith.constant 0 : i32
    %dma_start3A_13 = tpu.memref_slice %arg9[%multiple_of3A, %dma_start3A] : memref<240x128xf32, #tpu.memory_space<vmem>> -> memref<80x128xf32, #tpu.memory_space<vmem>>
    %dma_start3A_14 = arith.constant 0 : i32
    %dma_start3A_15 = tpu.memref_slice %arg7[%dma_start3A_14] : memref<10080xi32, #tpu.memory_space<vmem>> -> memref<80xi32, #tpu.memory_space<vmem>>
    %dma_start3A_16 = arith.constant 0 : i32
    %dma_start3A_17 = arith.constant 0 : i32
    %dma_start3A_18 = tpu.memref_slice %arg2[%dma_start3A_16, %dma_start3A_17] : memref<10000x128xf32, #tpu.memory_space<hbm>> -> memref<10000x128xf32, #tpu.memory_space<hbm>>
    tpu.enqueue_indirect_dma source(%dma_start3A_18 : memref<10000x128xf32, #tpu.memory_space<hbm>>) target(%dma_start3A_13 : memref<80x128xf32, #tpu.memory_space<vmem>>) offsets(%dma_start3A_15 : memref<80xi32, #tpu.memory_space<vmem>>) semaphore(%arg11 : memref<!tpu.dma_semaphore, #tpu.memory_space<semaphore_mem>>)
    %rem3A_19 = arith.constant 1 : i32
    %rem3A_20 = arith.constant 3 : i32
    %rem3A_21 = arith.remsi %rem3A_19, %rem3A_20 : i32
    %mul3A_22 = arith.constant 80 : i32
    %mul3A_23 = arith.muli %rem3A_21, %mul3A_22 : i32
    %multiple_of3A_24 = tpu.assume_multiple %mul3A_23, 80 : i32
    %dma_start3A_25 = arith.constant 0 : i32
    %dma_start3A_26 = tpu.memref_slice %arg9[%multiple_of3A_24, %dma_start3A_25] : memref<240x128xf32, #tpu.memory_space<vmem>> -> memref<80x128xf32, #tpu.memory_space<vmem>>
    %dma_start3A_27 = arith.constant 80 : i32
    %dma_start3A_28 = tpu.memref_slice %arg7[%dma_start3A_27] : memref<10080xi32, #tpu.memory_space<vmem>> -> memref<80xi32, #tpu.memory_space<vmem>>
    %dma_start3A_29 = arith.constant 0 : i32
    %dma_start3A_30 = arith.constant 0 : i32
    %dma_start3A_31 = tpu.memref_slice %arg2[%dma_start3A_29, %dma_start3A_30] : memref<10000x128xf32, #tpu.memory_space<hbm>> -> memref<10000x128xf32, #tpu.memory_space<hbm>>
    tpu.enqueue_indirect_dma source(%dma_start3A_31 : memref<10000x128xf32, #tpu.memory_space<hbm>>) target(%dma_start3A_26 : memref<80x128xf32, #tpu.memory_space<vmem>>) offsets(%dma_start3A_28 : memref<80xi32, #tpu.memory_space<vmem>>) semaphore(%arg11 : memref<!tpu.dma_semaphore, #tpu.memory_space<semaphore_mem>>)
    %rem3A_32 = arith.constant 0 : i32
    %rem3A_33 = arith.constant 3 : i32
    %rem3A_34 = arith.remsi %rem3A_32, %rem3A_33 : i32
    %mul3A_35 = arith.constant 80 : i32
    %mul3A_36 = arith.muli %rem3A_34, %mul3A_35 : i32
    %multiple_of3A_37 = tpu.assume_multiple %mul3A_36, 80 : i32
    %dma_wait3A = arith.constant 0 : i32
    %dma_wait3A_38 = tpu.memref_slice %arg9[%multiple_of3A_37, %dma_wait3A] : memref<240x128xf32, #tpu.memory_space<vmem>> -> memref<80x128xf32, #tpu.memory_space<vmem>>
    %dma_wait3A_39 = arith.constant 0 : i32
    %dma_wait3A_40 = tpu.memref_slice %arg7[%dma_wait3A_39] : memref<10080xi32, #tpu.memory_space<vmem>> -> memref<80xi32, #tpu.memory_space<vmem>>
    %dma_wait3A_41 = arith.constant 0 : i32
    %dma_wait3A_42 = arith.constant 0 : i32
    %dma_wait3A_43 = tpu.memref_slice %arg2[%dma_wait3A_41, %dma_wait3A_42] : memref<10000x128xf32, #tpu.memory_space<hbm>> -> memref<10000x128xf32, #tpu.memory_space<hbm>>
    tpu.wait_indirect_dma semaphore(%arg11 : memref<!tpu.dma_semaphore, #tpu.memory_space<semaphore_mem>>) src(%dma_wait3A_43 : memref<10000x128xf32, #tpu.memory_space<hbm>>) dst(%dma_wait3A_38 : memref<80x128xf32, #tpu.memory_space<vmem>>)
    %rem3A_44 = arith.constant 2 : i32
    %rem3A_45 = arith.constant 3 : i32
    %rem3A_46 = arith.remsi %rem3A_44, %rem3A_45 : i32
    %mul3A_47 = arith.constant 80 : i32
    %mul3A_48 = arith.muli %rem3A_46, %mul3A_47 : i32
    %multiple_of3A_49 = tpu.assume_multiple %mul3A_48, 80 : i32
    %dma_start3A_50 = arith.constant 0 : i32
    %dma_start3A_51 = tpu.memref_slice %arg9[%multiple_of3A_49, %dma_start3A_50] : memref<240x128xf32, #tpu.memory_space<vmem>> -> memref<80x128xf32, #tpu.memory_space<vmem>>
    %dma_start3A_52 = arith.constant 160 : i32
    %dma_start3A_53 = tpu.memref_slice %arg7[%dma_start3A_52] : memref<10080xi32, #tpu.memory_space<vmem>> -> memref<80xi32, #tpu.memory_space<vmem>>
    %dma_start3A_54 = arith.constant 0 : i32
    %dma_start3A_55 = arith.constant 0 : i32
    %dma_start3A_56 = tpu.memref_slice %arg2[%dma_start3A_54, %dma_start3A_55] : memref<10000x128xf32, #tpu.memory_space<hbm>> -> memref<10000x128xf32, #tpu.memory_space<hbm>>
    tpu.enqueue_indirect_dma source(%dma_start3A_56 : memref<10000x128xf32, #tpu.memory_space<hbm>>) target(%dma_start3A_51 : memref<80x128xf32, #tpu.memory_space<vmem>>) offsets(%dma_start3A_53 : memref<80xi32, #tpu.memory_space<vmem>>) semaphore(%arg11 : memref<!tpu.dma_semaphore, #tpu.memory_space<semaphore_mem>>)
    %rem3A_57 = arith.constant 0 : i32
    %rem3A_58 = arith.constant 3 : i32
    %rem3A_59 = arith.remsi %rem3A_57, %rem3A_58 : i32
    %mul3A_60 = arith.constant 80 : i32
    %mul3A_61 = arith.muli %rem3A_59, %mul3A_60 : i32
    %multiple_of3A_62 = tpu.assume_multiple %mul3A_61, 80 : i32
    %dma_start3A_63 = arith.constant 0 : i32
    %dma_start3A_64 = tpu.memref_slice %arg9[%multiple_of3A_62, %dma_start3A_63] : memref<240x128xf32, #tpu.memory_space<vmem>> -> memref<80x128xf32, #tpu.memory_space<vmem>>
    %dma_start3A_65 = arith.constant 0 : i32
    %dma_start3A_66 = tpu.memref_slice %arg8[%dma_start3A_65] : memref<10080xi32, #tpu.memory_space<vmem>> -> memref<80xi32, #tpu.memory_space<vmem>>
    %dma_start3A_67 = arith.constant 0 : i32
    %dma_start3A_68 = arith.constant 0 : i32
    %dma_start3A_69 = tpu.memref_slice %arg10[%dma_start3A_67, %dma_start3A_68] : memref<10008x128xf32, #tpu.memory_space<vmem_shared>> -> memref<10008x128xf32, #tpu.memory_space<vmem_shared>>
    tpu.enqueue_indirect_dma source(%dma_start3A_64 : memref<80x128xf32, #tpu.memory_space<vmem>>) target(%dma_start3A_69 : memref<10008x128xf32, #tpu.memory_space<vmem_shared>>) offsets(%dma_start3A_66 : memref<80xi32, #tpu.memory_space<vmem>>) semaphore(%arg12 : memref<!tpu.dma_semaphore, #tpu.memory_space<semaphore_mem>>) {add = true}
    %scan3A = arith.constant 0 : i32
    %scan3A_70 = arith.constant 1 : i32
    %scan3A_71 = arith.constant 125 : i32
    %scan3A_72 = arith.addi %scan3A_70, %scan3A_71 : i32
    %scan3A_73 = arith.constant 1 : i32
    scf.for %scan3A_124 = %scan3A_70 to %scan3A_72 step %scan3A_73  : i32 {
      %rem3A_125 = arith.constant 3 : i32
      %rem3A_126 = arith.remsi %scan3A_124, %rem3A_125 : i32
      %mul3A_127 = arith.constant 80 : i32
      %mul3A_128 = arith.muli %rem3A_126, %mul3A_127 : i32
      %multiple_of3A_129 = tpu.assume_multiple %mul3A_128, 80 : i32
      %dma_wait3A_130 = arith.constant 0 : i32
      %dma_wait3A_131 = tpu.memref_slice %arg9[%multiple_of3A_129, %dma_wait3A_130] : memref<240x128xf32, #tpu.memory_space<vmem>> -> memref<80x128xf32, #tpu.memory_space<vmem>>
      %dma_wait3A_132 = arith.constant 0 : i32
      %dma_wait3A_133 = tpu.memref_slice %arg7[%dma_wait3A_132] : memref<10080xi32, #tpu.memory_space<vmem>> -> memref<80xi32, #tpu.memory_space<vmem>>
      %dma_wait3A_134 = arith.constant 0 : i32
      %dma_wait3A_135 = arith.constant 0 : i32
      %dma_wait3A_136 = tpu.memref_slice %arg2[%dma_wait3A_134, %dma_wait3A_135] : memref<10000x128xf32, #tpu.memory_space<hbm>> -> memref<10000x128xf32, #tpu.memory_space<hbm>>
      tpu.wait_indirect_dma semaphore(%arg11 : memref<!tpu.dma_semaphore, #tpu.memory_space<semaphore_mem>>) src(%dma_wait3A_136 : memref<10000x128xf32, #tpu.memory_space<hbm>>) dst(%dma_wait3A_131 : memref<80x128xf32, #tpu.memory_space<vmem>>)
      %sub3A = arith.constant 1 : i32
      %sub3A_137 = arith.subi %scan3A_124, %sub3A : i32
      %sub3A_138 = arith.constant 1 : i32
      %sub3A_139 = arith.subi %scan3A_124, %sub3A_138 : i32
      %rem3A_140 = arith.constant 3 : i32
      %rem3A_141 = arith.remsi %sub3A_139, %rem3A_140 : i32
      %mul3A_142 = arith.constant 80 : i32
      %mul3A_143 = arith.muli %rem3A_141, %mul3A_142 : i32
      %multiple_of3A_144 = tpu.assume_multiple %mul3A_143, 80 : i32
      %mul3A_145 = arith.constant 80 : i32
      %mul3A_146 = arith.muli %sub3A_137, %mul3A_145 : i32
      %dma_wait3A_147 = arith.constant 0 : i32
      %dma_wait3A_148 = tpu.memref_slice %arg9[%multiple_of3A_144, %dma_wait3A_147] : memref<240x128xf32, #tpu.memory_space<vmem>> -> memref<80x128xf32, #tpu.memory_space<vmem>>
      %dma_wait3A_149 = tpu.memref_slice %arg8[%mul3A_146] : memref<10080xi32, #tpu.memory_space<vmem>> -> memref<80xi32, #tpu.memory_space<vmem>>
      %dma_wait3A_150 = arith.constant 0 : i32
      %dma_wait3A_151 = arith.constant 0 : i32
      %dma_wait3A_152 = tpu.memref_slice %arg10[%dma_wait3A_150, %dma_wait3A_151] : memref<10008x128xf32, #tpu.memory_space<vmem_shared>> -> memref<10008x128xf32, #tpu.memory_space<vmem_shared>>
      tpu.wait_indirect_dma semaphore(%arg12 : memref<!tpu.dma_semaphore, #tpu.memory_space<semaphore_mem>>) src(%dma_wait3A_148 : memref<80x128xf32, #tpu.memory_space<vmem>>) dst(%dma_wait3A_152 : memref<10008x128xf32, #tpu.memory_space<vmem_shared>>)
      %add3A_153 = arith.constant 2 : i32
      %add3A_154 = arith.addi %scan3A_124, %add3A_153 : i32
      %min3A = arith.constant 125 : i32
      %min3A_155 = arith.minsi %add3A_154, %min3A : i32
      %add3A_156 = arith.constant 2 : i32
      %add3A_157 = arith.addi %scan3A_124, %add3A_156 : i32
      %rem3A_158 = arith.constant 3 : i32
      %rem3A_159 = arith.remsi %add3A_157, %rem3A_158 : i32
      %mul3A_160 = arith.constant 80 : i32
      %mul3A_161 = arith.muli %rem3A_159, %mul3A_160 : i32
      %multiple_of3A_162 = tpu.assume_multiple %mul3A_161, 80 : i32
      %mul3A_163 = arith.constant 80 : i32
      %mul3A_164 = arith.muli %min3A_155, %mul3A_163 : i32
      %dma_start3A_165 = arith.constant 0 : i32
      %dma_start3A_166 = tpu.memref_slice %arg9[%multiple_of3A_162, %dma_start3A_165] : memref<240x128xf32, #tpu.memory_space<vmem>> -> memref<80x128xf32, #tpu.memory_space<vmem>>
      %dma_start3A_167 = tpu.memref_slice %arg7[%mul3A_164] : memref<10080xi32, #tpu.memory_space<vmem>> -> memref<80xi32, #tpu.memory_space<vmem>>
      %dma_start3A_168 = arith.constant 0 : i32
      %dma_start3A_169 = arith.constant 0 : i32
      %dma_start3A_170 = tpu.memref_slice %arg2[%dma_start3A_168, %dma_start3A_169] : memref<10000x128xf32, #tpu.memory_space<hbm>> -> memref<10000x128xf32, #tpu.memory_space<hbm>>
      tpu.enqueue_indirect_dma source(%dma_start3A_170 : memref<10000x128xf32, #tpu.memory_space<hbm>>) target(%dma_start3A_166 : memref<80x128xf32, #tpu.memory_space<vmem>>) offsets(%dma_start3A_167 : memref<80xi32, #tpu.memory_space<vmem>>) semaphore(%arg11 : memref<!tpu.dma_semaphore, #tpu.memory_space<semaphore_mem>>)
      %rem3A_171 = arith.constant 3 : i32
      %rem3A_172 = arith.remsi %scan3A_124, %rem3A_171 : i32
      %mul3A_173 = arith.constant 80 : i32
      %mul3A_174 = arith.muli %rem3A_172, %mul3A_173 : i32
      %multiple_of3A_175 = tpu.assume_multiple %mul3A_174, 80 : i32
      %mul3A_176 = arith.constant 80 : i32
      %mul3A_177 = arith.muli %scan3A_124, %mul3A_176 : i32
      %dma_start3A_178 = arith.constant 0 : i32
      %dma_start3A_179 = tpu.memref_slice %arg9[%multiple_of3A_175, %dma_start3A_178] : memref<240x128xf32, #tpu.memory_space<vmem>> -> memref<80x128xf32, #tpu.memory_space<vmem>>
      %dma_start3A_180 = tpu.memref_slice %arg8[%mul3A_177] : memref<10080xi32, #tpu.memory_space<vmem>> -> memref<80xi32, #tpu.memory_space<vmem>>
      %dma_start3A_181 = arith.constant 0 : i32
      %dma_start3A_182 = arith.constant 0 : i32
      %dma_start3A_183 = tpu.memref_slice %arg10[%dma_start3A_181, %dma_start3A_182] : memref<10008x128xf32, #tpu.memory_space<vmem_shared>> -> memref<10008x128xf32, #tpu.memory_space<vmem_shared>>
      tpu.enqueue_indirect_dma source(%dma_start3A_179 : memref<80x128xf32, #tpu.memory_space<vmem>>) target(%dma_start3A_183 : memref<10008x128xf32, #tpu.memory_space<vmem_shared>>) offsets(%dma_start3A_180 : memref<80xi32, #tpu.memory_space<vmem>>) semaphore(%arg12 : memref<!tpu.dma_semaphore, #tpu.memory_space<semaphore_mem>>) {add = true}
    }
    %scan3A_74 = arith.constant 125 : i32
    %rem3A_75 = arith.constant 126 : i32
    %rem3A_76 = arith.constant 3 : i32
    %rem3A_77 = arith.remsi %rem3A_75, %rem3A_76 : i32
    %mul3A_78 = arith.constant 80 : i32
    %mul3A_79 = arith.muli %rem3A_77, %mul3A_78 : i32
    %multiple_of3A_80 = tpu.assume_multiple %mul3A_79, 80 : i32
    %dma_wait3A_81 = arith.constant 0 : i32
    %dma_wait3A_82 = tpu.memref_slice %arg9[%multiple_of3A_80, %dma_wait3A_81] : memref<240x128xf32, #tpu.memory_space<vmem>> -> memref<80x128xf32, #tpu.memory_space<vmem>>
    %dma_wait3A_83 = arith.constant 0 : i32
    %dma_wait3A_84 = tpu.memref_slice %arg7[%dma_wait3A_83] : memref<10080xi32, #tpu.memory_space<vmem>> -> memref<80xi32, #tpu.memory_space<vmem>>
    %dma_wait3A_85 = arith.constant 0 : i32
    %dma_wait3A_86 = arith.constant 0 : i32
    %dma_wait3A_87 = tpu.memref_slice %arg2[%dma_wait3A_85, %dma_wait3A_86] : memref<10000x128xf32, #tpu.memory_space<hbm>> -> memref<10000x128xf32, #tpu.memory_space<hbm>>
    tpu.wait_indirect_dma semaphore(%arg11 : memref<!tpu.dma_semaphore, #tpu.memory_space<semaphore_mem>>) src(%dma_wait3A_87 : memref<10000x128xf32, #tpu.memory_space<hbm>>) dst(%dma_wait3A_82 : memref<80x128xf32, #tpu.memory_space<vmem>>)
    %rem3A_88 = arith.constant 127 : i32
    %rem3A_89 = arith.constant 3 : i32
    %rem3A_90 = arith.remsi %rem3A_88, %rem3A_89 : i32
    %mul3A_91 = arith.constant 80 : i32
    %mul3A_92 = arith.muli %rem3A_90, %mul3A_91 : i32
    %multiple_of3A_93 = tpu.assume_multiple %mul3A_92, 80 : i32
    %dma_wait3A_94 = arith.constant 0 : i32
    %dma_wait3A_95 = tpu.memref_slice %arg9[%multiple_of3A_93, %dma_wait3A_94] : memref<240x128xf32, #tpu.memory_space<vmem>> -> memref<80x128xf32, #tpu.memory_space<vmem>>
    %dma_wait3A_96 = arith.constant 0 : i32
    %dma_wait3A_97 = tpu.memref_slice %arg7[%dma_wait3A_96] : memref<10080xi32, #tpu.memory_space<vmem>> -> memref<80xi32, #tpu.memory_space<vmem>>
    %dma_wait3A_98 = arith.constant 0 : i32
    %dma_wait3A_99 = arith.constant 0 : i32
    %dma_wait3A_100 = tpu.memref_slice %arg2[%dma_wait3A_98, %dma_wait3A_99] : memref<10000x128xf32, #tpu.memory_space<hbm>> -> memref<10000x128xf32, #tpu.memory_space<hbm>>
    tpu.wait_indirect_dma semaphore(%arg11 : memref<!tpu.dma_semaphore, #tpu.memory_space<semaphore_mem>>) src(%dma_wait3A_100 : memref<10000x128xf32, #tpu.memory_space<hbm>>) dst(%dma_wait3A_95 : memref<80x128xf32, #tpu.memory_space<vmem>>)
    %rem3A_101 = arith.constant 125 : i32
    %rem3A_102 = arith.constant 3 : i32
    %rem3A_103 = arith.remsi %rem3A_101, %rem3A_102 : i32
    %mul3A_104 = arith.constant 80 : i32
    %mul3A_105 = arith.muli %rem3A_103, %mul3A_104 : i32
    %multiple_of3A_106 = tpu.assume_multiple %mul3A_105, 80 : i32
    %dma_wait3A_107 = arith.constant 0 : i32
    %dma_wait3A_108 = tpu.memref_slice %arg9[%multiple_of3A_106, %dma_wait3A_107] : memref<240x128xf32, #tpu.memory_space<vmem>> -> memref<80x128xf32, #tpu.memory_space<vmem>>
    %dma_wait3A_109 = arith.constant 10000 : i32
    %dma_wait3A_110 = tpu.memref_slice %arg8[%dma_wait3A_109] : memref<10080xi32, #tpu.memory_space<vmem>> -> memref<80xi32, #tpu.memory_space<vmem>>
    %dma_wait3A_111 = arith.constant 0 : i32
    %dma_wait3A_112 = arith.constant 0 : i32
    %dma_wait3A_113 = tpu.memref_slice %arg10[%dma_wait3A_111, %dma_wait3A_112] : memref<10008x128xf32, #tpu.memory_space<vmem_shared>> -> memref<10008x128xf32, #tpu.memory_space<vmem_shared>>
    tpu.wait_indirect_dma semaphore(%arg12 : memref<!tpu.dma_semaphore, #tpu.memory_space<semaphore_mem>>) src(%dma_wait3A_108 : memref<80x128xf32, #tpu.memory_space<vmem>>) dst(%dma_wait3A_113 : memref<10008x128xf32, #tpu.memory_space<vmem_shared>>)
    %barrier3A_114 = arith.constant 0 : index
    tpu.barrier barrier_id(%barrier3A_114)
    %mul3A_115 = arith.constant 624 : i32
    %mul3A_116 = arith.muli %arg1, %mul3A_115 : i32
    %mul3A_117 = arith.constant 624 : i32
    %mul3A_118 = arith.muli %arg1, %mul3A_117 : i32
    "tpu.region"() ({
      %run_scoped3A = tpu.sem_alloc : memref<!tpu.dma_semaphore, #tpu.memory_space<semaphore_mem>>
      %dma_start3A_124 = arith.constant 0 : i32
      %dma_start3A_125 = tpu.memref_slice %arg6[%arg0, %mul3A_118, %dma_start3A_124] : memref<2x10000x128xf32, #tpu.memory_space<hbm>> -> memref<1x624x128xf32, #tpu.memory_space<hbm>>
      %dma_start3A_126 = tpu.memref_squeeze %dma_start3A_125 : memref<1x624x128xf32, #tpu.memory_space<hbm>> -> memref<624x128xf32, #tpu.memory_space<hbm>>
      %dma_start3A_127 = arith.constant 0 : i32
      %dma_start3A_128 = tpu.memref_slice %arg10[%mul3A_116, %dma_start3A_127] : memref<10008x128xf32, #tpu.memory_space<vmem_shared>> -> memref<624x128xf32, #tpu.memory_space<vmem_shared>>
      tpu.enqueue_dma source(%dma_start3A_128 : memref<624x128xf32, #tpu.memory_space<vmem_shared>>) target(%dma_start3A_126 : memref<624x128xf32, #tpu.memory_space<hbm>>) target_semaphore(%run_scoped3A : memref<!tpu.dma_semaphore, #tpu.memory_space<semaphore_mem>>)
      %dma_wait3A_129 = arith.constant 0 : i32
      %dma_wait3A_130 = tpu.memref_slice %arg6[%arg0, %mul3A_118, %dma_wait3A_129] : memref<2x10000x128xf32, #tpu.memory_space<hbm>> -> memref<1x624x128xf32, #tpu.memory_space<hbm>>
      %dma_wait3A_131 = tpu.memref_squeeze %dma_wait3A_130 : memref<1x624x128xf32, #tpu.memory_space<hbm>> -> memref<624x128xf32, #tpu.memory_space<hbm>>
      %dma_wait3A_132 = arith.constant 0 : i32
      %dma_wait3A_133 = tpu.memref_slice %arg10[%mul3A_116, %dma_wait3A_132] : memref<10008x128xf32, #tpu.memory_space<vmem_shared>> -> memref<624x128xf32, #tpu.memory_space<vmem_shared>>
      tpu.wait_dma2 semaphore(%run_scoped3A : memref<!tpu.dma_semaphore, #tpu.memory_space<semaphore_mem>>) src(%dma_wait3A_133 : memref<624x128xf32, #tpu.memory_space<vmem_shared>>) dst(%dma_wait3A_131 : memref<624x128xf32, #tpu.memory_space<hbm>>)
      tpu.yield
    }) : () -> ()
    %eq3A_119 = arith.constant 15 : i32
    %eq3A_120 = arith.cmpi eq, %arg1, %eq3A_119 : i32
    %convert_element_type3A_121 = arith.extui %eq3A_120 : i1 to i32
    %cond3A_122 = arith.constant 0 : i32
    %cond3A_123 = arith.cmpi ne, %convert_element_type3A_121, %cond3A_122 : i32
    scf.if %cond3A_123 {
      "tpu.region"() ({
        %run_scoped3A = tpu.sem_alloc : memref<!tpu.dma_semaphore, #tpu.memory_space<semaphore_mem>>
        %dma_start3A_124 = arith.constant 9984 : i32
        %dma_start3A_125 = arith.constant 0 : i32
        %dma_start3A_126 = tpu.memref_slice %arg6[%arg0, %dma_start3A_124, %dma_start3A_125] : memref<2x10000x128xf32, #tpu.memory_space<hbm>> -> memref<1x16x128xf32, #tpu.memory_space<hbm>>
        %dma_start3A_127 = tpu.memref_squeeze %dma_start3A_126 : memref<1x16x128xf32, #tpu.memory_space<hbm>> -> memref<16x128xf32, #tpu.memory_space<hbm>>
        %dma_start3A_128 = arith.constant 9984 : i32
        %dma_start3A_129 = arith.constant 0 : i32
        %dma_start3A_130 = tpu.memref_slice %arg10[%dma_start3A_128, %dma_start3A_129] : memref<10008x128xf32, #tpu.memory_space<vmem_shared>> -> memref<16x128xf32, #tpu.memory_space<vmem_shared>>
        tpu.enqueue_dma source(%dma_start3A_130 : memref<16x128xf32, #tpu.memory_space<vmem_shared>>) target(%dma_start3A_127 : memref<16x128xf32, #tpu.memory_space<hbm>>) target_semaphore(%run_scoped3A : memref<!tpu.dma_semaphore, #tpu.memory_space<semaphore_mem>>)
        %dma_wait3A_131 = arith.constant 9984 : i32
        %dma_wait3A_132 = arith.constant 0 : i32
        %dma_wait3A_133 = tpu.memref_slice %arg6[%arg0, %dma_wait3A_131, %dma_wait3A_132] : memref<2x10000x128xf32, #tpu.memory_space<hbm>> -> memref<1x16x128xf32, #tpu.memory_space<hbm>>
        %dma_wait3A_134 = tpu.memref_squeeze %dma_wait3A_133 : memref<1x16x128xf32, #tpu.memory_space<hbm>> -> memref<16x128xf32, #tpu.memory_space<hbm>>
        %dma_wait3A_135 = arith.constant 9984 : i32
        %dma_wait3A_136 = arith.constant 0 : i32
        %dma_wait3A_137 = tpu.memref_slice %arg10[%dma_wait3A_135, %dma_wait3A_136] : memref<10008x128xf32, #tpu.memory_space<vmem_shared>> -> memref<16x128xf32, #tpu.memory_space<vmem_shared>>
        tpu.wait_dma2 semaphore(%run_scoped3A : memref<!tpu.dma_semaphore, #tpu.memory_space<semaphore_mem>>) src(%dma_wait3A_137 : memref<16x128xf32, #tpu.memory_space<vmem_shared>>) dst(%dma_wait3A_134 : memref<16x128xf32, #tpu.memory_space<hbm>>)
        tpu.yield
      }) : () -> ()
    } else {
    }
    return
  }
}

module attributes {stable_mosaic.version = 14 : i64} {
  func.func @_tc_layer_body(%arg0: memref<10000x128xf32, #tpu.memory_space<vmem>>, %arg1: memref<2x10000x128xf32, #tpu.memory_space<vmem>>, %arg2: memref<128x128xf32, #tpu.memory_space<vmem>>, %arg3: memref<1x128xf32, #tpu.memory_space<vmem>>, %arg4: memref<128x128xf32, #tpu.memory_space<vmem>>, %arg5: memref<1x128xf32, #tpu.memory_space<vmem>>, %arg6: memref<1x128xf32, #tpu.memory_space<vmem>>, %arg7: memref<1x128xf32, #tpu.memory_space<vmem>>, %arg8: memref<1x10000xi32, #tpu.memory_space<vmem>>, %arg9: memref<10000x128xf32, #tpu.memory_space<vmem>>, %arg10: memref<64x128xf32, #tpu.memory_space<vmem>>) attributes {dimension_semantics = [], scalar_prefetch = 0 : i64, scratch_operands = 0 : i64, tpu.core_type = #tpu.core_type<tc>} {
    %get3A = arith.constant 0 : index
    %get3A_0 = arith.constant 0 : index
    %get3A_1 = vector.load %arg0[%get3A, %get3A_0] : memref<10000x128xf32, #tpu.memory_space<vmem>>, vector<10000x128xf32>
    %get3A_2 = arith.constant 0 : index
    %get3A_3 = arith.constant 0 : index
    %get3A_4 = arith.constant 0 : index
    %get3A_5 = vector.load %arg1[%get3A_2, %get3A_3, %get3A_4] : memref<2x10000x128xf32, #tpu.memory_space<vmem>>, vector<1x10000x128xf32>
    %get3A_6 = vector.shape_cast %get3A_5 : vector<1x10000x128xf32> to vector<10000x128xf32>
    %add3A = arith.addf %get3A_1, %get3A_6 : vector<10000x128xf32>
    %get3A_7 = arith.constant 1 : index
    %get3A_8 = arith.constant 0 : index
    %get3A_9 = arith.constant 0 : index
    %get3A_10 = vector.load %arg1[%get3A_7, %get3A_8, %get3A_9] : memref<2x10000x128xf32, #tpu.memory_space<vmem>>, vector<1x10000x128xf32>
    %get3A_11 = vector.shape_cast %get3A_10 : vector<1x10000x128xf32> to vector<10000x128xf32>
    %add3A_12 = arith.addf %add3A, %get3A_11 : vector<10000x128xf32>
    %get3A_13 = arith.constant 0 : index
    %get3A_14 = arith.constant 0 : index
    %get3A_15 = vector.load %arg2[%get3A_13, %get3A_14] : memref<128x128xf32, #tpu.memory_space<vmem>>, vector<128x128xf32>
    %dot_general3A = arith.constant dense<0.000000e+00> : vector<10000x128xf32>
    %dot_general3A_16 = tpu.matmul %add3A_12, %get3A_15, %dot_general3A {dimension_numbers = #tpu.dot_dimension_numbers<[1], [0], [0], [1], [0, 0, 1, 1], [], []>, transpose_lhs_hint = false} : vector<10000x128xf32>, vector<128x128xf32>, vector<10000x128xf32> -> vector<10000x128xf32>
    %get3A_17 = arith.constant 0 : index
    %get3A_18 = arith.constant 0 : index
    %get3A_19 = vector.load %arg3[%get3A_17, %get3A_18] : memref<1x128xf32, #tpu.memory_space<vmem>>, vector<1x128xf32>
    %add3A_20 = vector.broadcast %get3A_19 : vector<1x128xf32> to vector<10000x128xf32>
    %add3A_21 = arith.addf %dot_general3A_16, %add3A_20 : vector<10000x128xf32>
    %max3A = arith.constant 0.000000e+00 : f32
    %max3A_22 = vector.broadcast %max3A : f32 to vector<10000x128xf32>
    %max3A_23 = arith.maximumf %add3A_21, %max3A_22 : vector<10000x128xf32>
    %get3A_24 = arith.constant 0 : index
    %get3A_25 = arith.constant 0 : index
    %get3A_26 = vector.load %arg4[%get3A_24, %get3A_25] : memref<128x128xf32, #tpu.memory_space<vmem>>, vector<128x128xf32>
    %dot_general3A_27 = arith.constant dense<0.000000e+00> : vector<10000x128xf32>
    %dot_general3A_28 = tpu.matmul %max3A_23, %get3A_26, %dot_general3A_27 {dimension_numbers = #tpu.dot_dimension_numbers<[1], [0], [0], [1], [0, 0, 1, 1], [], []>, transpose_lhs_hint = false} : vector<10000x128xf32>, vector<128x128xf32>, vector<10000x128xf32> -> vector<10000x128xf32>
    %get3A_29 = arith.constant 0 : index
    %get3A_30 = arith.constant 0 : index
    %get3A_31 = vector.load %arg5[%get3A_29, %get3A_30] : memref<1x128xf32, #tpu.memory_space<vmem>>, vector<1x128xf32>
    %add3A_32 = vector.broadcast %get3A_31 : vector<1x128xf32> to vector<10000x128xf32>
    %add3A_33 = arith.addf %dot_general3A_28, %add3A_32 : vector<10000x128xf32>
    %reduce_sum3A = arith.constant dense<0.000000e+00> : vector<128xf32>
    %reduce_sum3A_34 = vector.multi_reduction <add>, %add3A_33, %reduce_sum3A [0] : vector<10000x128xf32> to vector<128xf32>
    %broadcast_in_dim3A = vector.shape_cast %reduce_sum3A_34 : vector<128xf32> to vector<1x128xf32>
    %div3A = arith.constant 1.000000e+04 : f32
    %div3A_35 = vector.broadcast %div3A : f32 to vector<1x128xf32>
    %div3A_36 = arith.divf %broadcast_in_dim3A, %div3A_35 : vector<1x128xf32>
    %sub3A = vector.broadcast %div3A_36 : vector<1x128xf32> to vector<10000x128xf32>
    %sub3A_37 = arith.subf %add3A_33, %sub3A : vector<10000x128xf32>
    %integer_pow3A = arith.mulf %sub3A_37, %sub3A_37 : vector<10000x128xf32>
    %reduce_sum3A_38 = arith.constant dense<0.000000e+00> : vector<128xf32>
    %reduce_sum3A_39 = vector.multi_reduction <add>, %integer_pow3A, %reduce_sum3A_38 [0] : vector<10000x128xf32> to vector<128xf32>
    %broadcast_in_dim3A_40 = vector.shape_cast %reduce_sum3A_39 : vector<128xf32> to vector<1x128xf32>
    %div3A_41 = arith.constant 1.000000e+04 : f32
    %div3A_42 = vector.broadcast %div3A_41 : f32 to vector<1x128xf32>
    %div3A_43 = arith.divf %broadcast_in_dim3A_40, %div3A_42 : vector<1x128xf32>
    %sub3A_44 = vector.broadcast %div3A_36 : vector<1x128xf32> to vector<10000x128xf32>
    %sub3A_45 = arith.subf %add3A_33, %sub3A_44 : vector<10000x128xf32>
    %add3A_46 = arith.constant 9.99999974E-6 : f32
    %add3A_47 = vector.broadcast %add3A_46 : f32 to vector<1x128xf32>
    %add3A_48 = arith.addf %div3A_43, %add3A_47 : vector<1x128xf32>
    %sqrt3A = math.sqrt %add3A_48 : vector<1x128xf32>
    %div3A_49 = vector.broadcast %sqrt3A : vector<1x128xf32> to vector<10000x128xf32>
    %div3A_50 = arith.divf %sub3A_45, %div3A_49 : vector<10000x128xf32>
    %get3A_51 = arith.constant 0 : index
    %get3A_52 = arith.constant 0 : index
    %get3A_53 = vector.load %arg6[%get3A_51, %get3A_52] : memref<1x128xf32, #tpu.memory_space<vmem>>, vector<1x128xf32>
    %mul3A = vector.broadcast %get3A_53 : vector<1x128xf32> to vector<10000x128xf32>
    %mul3A_54 = arith.mulf %div3A_50, %mul3A : vector<10000x128xf32>
    %get3A_55 = arith.constant 0 : index
    %get3A_56 = arith.constant 0 : index
    %get3A_57 = vector.load %arg7[%get3A_55, %get3A_56] : memref<1x128xf32, #tpu.memory_space<vmem>>, vector<1x128xf32>
    %add3A_58 = vector.broadcast %get3A_57 : vector<1x128xf32> to vector<10000x128xf32>
    %add3A_59 = arith.addf %mul3A_54, %add3A_58 : vector<10000x128xf32>
    %max3A_60 = arith.constant 0.000000e+00 : f32
    %max3A_61 = vector.broadcast %max3A_60 : f32 to vector<10000x128xf32>
    %max3A_62 = arith.maximumf %add3A_59, %max3A_61 : vector<10000x128xf32>
    %swap3A = arith.constant 0 : index
    %swap3A_63 = arith.constant 0 : index
    %swap3A_64 = vector.load %arg9[%swap3A, %swap3A_63] : memref<10000x128xf32, #tpu.memory_space<vmem>>, vector<10000x128xf32>
    tpu.vector_store %arg9[%swap3A, %swap3A_63], %max3A_62 {strides = array<i32>} : memref<10000x128xf32, #tpu.memory_space<vmem>>, vector<10000x128xf32>,
    %iota3A = tpu.iota {dimensions = array<i32: 0>} : vector<64x10000xi32>
    %get3A_65 = arith.constant 0 : index
    %get3A_66 = arith.constant 0 : index
    %get3A_67 = vector.load %arg8[%get3A_65, %get3A_66] : memref<1x10000xi32, #tpu.memory_space<vmem>>, vector<1x10000xi32>
    %eq3A = vector.broadcast %get3A_67 : vector<1x10000xi32> to vector<64x10000xi32>
    %eq3A_68 = arith.cmpi eq, %iota3A, %eq3A : vector<64x10000xi32>
    %convert_element_type3A = arith.extui %eq3A_68 : vector<64x10000xi1> to vector<64x10000xi32>
    %convert_element_type3A_69 = arith.sitofp %convert_element_type3A : vector<64x10000xi32> to vector<64x10000xf32>
    %dot_general3A_70 = arith.constant dense<0.000000e+00> : vector<64x128xf32>
    %dot_general3A_71 = tpu.matmul %convert_element_type3A_69, %max3A_62, %dot_general3A_70 {dimension_numbers = #tpu.dot_dimension_numbers<[1], [0], [0], [1], [0, 0, 1, 1], [], []>, transpose_lhs_hint = false} : vector<64x10000xf32>, vector<10000x128xf32>, vector<64x128xf32> -> vector<64x128xf32>
    %swap3A_72 = arith.constant 0 : index
    %swap3A_73 = arith.constant 0 : index
    %swap3A_74 = vector.load %arg10[%swap3A_72, %swap3A_73] : memref<64x128xf32, #tpu.memory_space<vmem>>, vector<64x128xf32>
    tpu.vector_store %arg10[%swap3A_72, %swap3A_73], %dot_general3A_71 {strides = array<i32>} : memref<64x128xf32, #tpu.memory_space<vmem>>, vector<64x128xf32>,
    return
  }
}

module attributes {stable_mosaic.version = 14 : i64} {
  func.func @_tc_layer_body(%arg0: memref<10000x128xf32, #tpu.memory_space<vmem>>, %arg1: memref<2x10000x128xf32, #tpu.memory_space<vmem>>, %arg2: memref<128x128xf32, #tpu.memory_space<vmem>>, %arg3: memref<1x128xf32, #tpu.memory_space<vmem>>, %arg4: memref<128x128xf32, #tpu.memory_space<vmem>>, %arg5: memref<1x128xf32, #tpu.memory_space<vmem>>, %arg6: memref<1x128xf32, #tpu.memory_space<vmem>>, %arg7: memref<1x128xf32, #tpu.memory_space<vmem>>, %arg8: memref<1x10000xi32, #tpu.memory_space<vmem>>, %arg9: memref<10000x128xf32, #tpu.memory_space<vmem>>, %arg10: memref<64x128xf32, #tpu.memory_space<vmem>>) attributes {dimension_semantics = [], scalar_prefetch = 0 : i64, scratch_operands = 0 : i64, tpu.core_type = #tpu.core_type<tc>} {
    %get3A = arith.constant 0 : index
    %get3A_0 = arith.constant 0 : index
    %get3A_1 = vector.load %arg0[%get3A, %get3A_0] : memref<10000x128xf32, #tpu.memory_space<vmem>>, vector<10000x128xf32>
    %get3A_2 = arith.constant 0 : index
    %get3A_3 = arith.constant 0 : index
    %get3A_4 = arith.constant 0 : index
    %get3A_5 = vector.load %arg1[%get3A_2, %get3A_3, %get3A_4] : memref<2x10000x128xf32, #tpu.memory_space<vmem>>, vector<1x10000x128xf32>
    %get3A_6 = vector.shape_cast %get3A_5 : vector<1x10000x128xf32> to vector<10000x128xf32>
    %add3A = arith.addf %get3A_1, %get3A_6 : vector<10000x128xf32>
    %get3A_7 = arith.constant 1 : index
    %get3A_8 = arith.constant 0 : index
    %get3A_9 = arith.constant 0 : index
    %get3A_10 = vector.load %arg1[%get3A_7, %get3A_8, %get3A_9] : memref<2x10000x128xf32, #tpu.memory_space<vmem>>, vector<1x10000x128xf32>
    %get3A_11 = vector.shape_cast %get3A_10 : vector<1x10000x128xf32> to vector<10000x128xf32>
    %add3A_12 = arith.addf %add3A, %get3A_11 : vector<10000x128xf32>
    %get3A_13 = arith.constant 0 : index
    %get3A_14 = arith.constant 0 : index
    %get3A_15 = vector.load %arg2[%get3A_13, %get3A_14] : memref<128x128xf32, #tpu.memory_space<vmem>>, vector<128x128xf32>
    %dot_general3A = arith.constant dense<0.000000e+00> : vector<10000x128xf32>
    %dot_general3A_16 = tpu.matmul %add3A_12, %get3A_15, %dot_general3A {dimension_numbers = #tpu.dot_dimension_numbers<[1], [0], [0], [1], [0, 0, 1, 1], [], []>, transpose_lhs_hint = false} : vector<10000x128xf32>, vector<128x128xf32>, vector<10000x128xf32> -> vector<10000x128xf32>
    %get3A_17 = arith.constant 0 : index
    %get3A_18 = arith.constant 0 : index
    %get3A_19 = vector.load %arg3[%get3A_17, %get3A_18] : memref<1x128xf32, #tpu.memory_space<vmem>>, vector<1x128xf32>
    %add3A_20 = vector.broadcast %get3A_19 : vector<1x128xf32> to vector<10000x128xf32>
    %add3A_21 = arith.addf %dot_general3A_16, %add3A_20 : vector<10000x128xf32>
    %max3A = arith.constant 0.000000e+00 : f32
    %max3A_22 = vector.broadcast %max3A : f32 to vector<10000x128xf32>
    %max3A_23 = arith.maximumf %add3A_21, %max3A_22 : vector<10000x128xf32>
    %get3A_24 = arith.constant 0 : index
    %get3A_25 = arith.constant 0 : index
    %get3A_26 = vector.load %arg4[%get3A_24, %get3A_25] : memref<128x128xf32, #tpu.memory_space<vmem>>, vector<128x128xf32>
    %dot_general3A_27 = arith.constant dense<0.000000e+00> : vector<10000x128xf32>
    %dot_general3A_28 = tpu.matmul %max3A_23, %get3A_26, %dot_general3A_27 {dimension_numbers = #tpu.dot_dimension_numbers<[1], [0], [0], [1], [0, 0, 1, 1], [], []>, transpose_lhs_hint = false} : vector<10000x128xf32>, vector<128x128xf32>, vector<10000x128xf32> -> vector<10000x128xf32>
    %get3A_29 = arith.constant 0 : index
    %get3A_30 = arith.constant 0 : index
    %get3A_31 = vector.load %arg5[%get3A_29, %get3A_30] : memref<1x128xf32, #tpu.memory_space<vmem>>, vector<1x128xf32>
    %add3A_32 = vector.broadcast %get3A_31 : vector<1x128xf32> to vector<10000x128xf32>
    %add3A_33 = arith.addf %dot_general3A_28, %add3A_32 : vector<10000x128xf32>
    %reduce_sum3A = arith.constant dense<0.000000e+00> : vector<128xf32>
    %reduce_sum3A_34 = vector.multi_reduction <add>, %add3A_33, %reduce_sum3A [0] : vector<10000x128xf32> to vector<128xf32>
    %broadcast_in_dim3A = vector.shape_cast %reduce_sum3A_34 : vector<128xf32> to vector<1x128xf32>
    %div3A = arith.constant 1.000000e+04 : f32
    %div3A_35 = vector.broadcast %div3A : f32 to vector<1x128xf32>
    %div3A_36 = arith.divf %broadcast_in_dim3A, %div3A_35 : vector<1x128xf32>
    %sub3A = vector.broadcast %div3A_36 : vector<1x128xf32> to vector<10000x128xf32>
    %sub3A_37 = arith.subf %add3A_33, %sub3A : vector<10000x128xf32>
    %integer_pow3A = arith.mulf %sub3A_37, %sub3A_37 : vector<10000x128xf32>
    %reduce_sum3A_38 = arith.constant dense<0.000000e+00> : vector<128xf32>
    %reduce_sum3A_39 = vector.multi_reduction <add>, %integer_pow3A, %reduce_sum3A_38 [0] : vector<10000x128xf32> to vector<128xf32>
    %broadcast_in_dim3A_40 = vector.shape_cast %reduce_sum3A_39 : vector<128xf32> to vector<1x128xf32>
    %div3A_41 = arith.constant 1.000000e+04 : f32
    %div3A_42 = vector.broadcast %div3A_41 : f32 to vector<1x128xf32>
    %div3A_43 = arith.divf %broadcast_in_dim3A_40, %div3A_42 : vector<1x128xf32>
    %sub3A_44 = vector.broadcast %div3A_36 : vector<1x128xf32> to vector<10000x128xf32>
    %sub3A_45 = arith.subf %add3A_33, %sub3A_44 : vector<10000x128xf32>
    %add3A_46 = arith.constant 9.99999974E-6 : f32
    %add3A_47 = vector.broadcast %add3A_46 : f32 to vector<1x128xf32>
    %add3A_48 = arith.addf %div3A_43, %add3A_47 : vector<1x128xf32>
    %sqrt3A = math.sqrt %add3A_48 : vector<1x128xf32>
    %div3A_49 = vector.broadcast %sqrt3A : vector<1x128xf32> to vector<10000x128xf32>
    %div3A_50 = arith.divf %sub3A_45, %div3A_49 : vector<10000x128xf32>
    %get3A_51 = arith.constant 0 : index
    %get3A_52 = arith.constant 0 : index
    %get3A_53 = vector.load %arg6[%get3A_51, %get3A_52] : memref<1x128xf32, #tpu.memory_space<vmem>>, vector<1x128xf32>
    %mul3A = vector.broadcast %get3A_53 : vector<1x128xf32> to vector<10000x128xf32>
    %mul3A_54 = arith.mulf %div3A_50, %mul3A : vector<10000x128xf32>
    %get3A_55 = arith.constant 0 : index
    %get3A_56 = arith.constant 0 : index
    %get3A_57 = vector.load %arg7[%get3A_55, %get3A_56] : memref<1x128xf32, #tpu.memory_space<vmem>>, vector<1x128xf32>
    %add3A_58 = vector.broadcast %get3A_57 : vector<1x128xf32> to vector<10000x128xf32>
    %add3A_59 = arith.addf %mul3A_54, %add3A_58 : vector<10000x128xf32>
    %swap3A = arith.constant 0 : index
    %swap3A_60 = arith.constant 0 : index
    %swap3A_61 = vector.load %arg9[%swap3A, %swap3A_60] : memref<10000x128xf32, #tpu.memory_space<vmem>>, vector<10000x128xf32>
    tpu.vector_store %arg9[%swap3A, %swap3A_60], %add3A_59 {strides = array<i32>} : memref<10000x128xf32, #tpu.memory_space<vmem>>, vector<10000x128xf32>,
    %iota3A = tpu.iota {dimensions = array<i32: 0>} : vector<64x10000xi32>
    %get3A_62 = arith.constant 0 : index
    %get3A_63 = arith.constant 0 : index
    %get3A_64 = vector.load %arg8[%get3A_62, %get3A_63] : memref<1x10000xi32, #tpu.memory_space<vmem>>, vector<1x10000xi32>
    %eq3A = vector.broadcast %get3A_64 : vector<1x10000xi32> to vector<64x10000xi32>
    %eq3A_65 = arith.cmpi eq, %iota3A, %eq3A : vector<64x10000xi32>
    %convert_element_type3A = arith.extui %eq3A_65 : vector<64x10000xi1> to vector<64x10000xi32>
    %convert_element_type3A_66 = arith.sitofp %convert_element_type3A : vector<64x10000xi32> to vector<64x10000xf32>
    %dot_general3A_67 = arith.constant dense<0.000000e+00> : vector<64x128xf32>
    %dot_general3A_68 = tpu.matmul %convert_element_type3A_66, %add3A_59, %dot_general3A_67 {dimension_numbers = #tpu.dot_dimension_numbers<[1], [0], [0], [1], [0, 0, 1, 1], [], []>, transpose_lhs_hint = false} : vector<64x10000xf32>, vector<10000x128xf32>, vector<64x128xf32> -> vector<64x128xf32>
    %swap3A_69 = arith.constant 0 : index
    %swap3A_70 = arith.constant 0 : index
    %swap3A_71 = vector.load %arg10[%swap3A_69, %swap3A_70] : memref<64x128xf32, #tpu.memory_space<vmem>>, vector<64x128xf32>
    tpu.vector_store %arg10[%swap3A_69, %swap3A_70], %dot_general3A_68 {strides = array<i32>} : memref<64x128xf32, #tpu.memory_space<vmem>>, vector<64x128xf32>,
    return
  }
}

</mosaic_0001>

<sc_bundles>
// kernel: kernel.6.cloned.1.call-start
scs
__scs_entry_jumppad:
0x0: {  	(pc) =	sbr.rel $0x88, $3  }
0x1: {  	(tag) =	ssettag $0x0;
	lr =	simm.s32 $0x1  }
0x2: {  	[smem:$0x3F92] =	sst lr;
	_ =	strace $0xD0000000  }
0x3: {  	_ = 	snop  }
0x4: {  	_ = 	snop  }
0x5: {  	_ = 	snop  }
0x6: {  	_ = 	snop  }
0x7: {  	_ = 	snop  }
__scs_overlays_trampoline_lowered:
0x8: {  	[smem:$0x3FA1] =	sst s0  }
0x9: {  	[smem:$0x3FA2] =	sst s1  }
0xa: {  	[smem:$0x3FA3] =	sst s2  }
0xb: {  	[smem:$0x3FA4] =	sst s3  }
0xc: {  	[smem:$0x3FA5] =	sst s4  }
0xd: {  	[smem:$0x3FA6] =	sst s5  }
0xe: {  	[smem:$0x3FA7] =	sst s6  }
0xf: {  	[smem:$0x3FA8] =	sst s7  }
0x10: {  	[smem:$0x3FA9] =	sst s8  }
0x11: {  	[smem:$0x3FAA] =	sst s9;
	s0 =	simm.s32 @!p0 $0x0  }
0x12: {  	s1 =	sld [smem:$0x3F90];
	s0 =	simm.s32 @p0 $0x1  }
0x13: {  	[smem:$0x3FAB] =	sst s0;
	s0 =	simm.s32 @!p1 $0x0  }
0x14: {  	s2 =	sld [smem:$0x3F8F];
	s0 =	simm.s32 @p1 $0x1  }
0x15: {  	[smem:$0x3FAC] =	sst s0;
	s0 =	simm.s32 @!p2 $0x0  }
0x16: {  	s3 =	sld [smem:$0x3FDB];
	s0 =	simm.s32 @p2 $0x1  }
0x17: {  	s4 =	simm.s32 $0x1BF5;
	[smem:$0x3FAE] =	sst s0  }
0x18: {  	s0 =	sld [smem:$0x3F91];
	_ =	swait.ge [sflag:s4], $0x0  }
0x19: {  	s7 =	sld [smem:$0x3F92]  }
0x1a: {  	s8 =	sadd.s32 $0xFFFFE003, lr  }
0x1b: {  	s9 =	sadd.s32 $0xFFFFFEF7, lr;
	s5 =	simm.s32 $0xFFFFFFFF;
	p2 =	slt.u32 s8, $0xFFFFF086  }
0x1c: {  	p1 =	slt.u32 s9, $0xF7A;
	s5 =	simm.s32 @!p2 $0x0  }
0x1d: {  	s5 =	simm.s32 @p1 $0x1;
	p0 =	seq.s32 s7, s2  }
0x1e: {  	s7 =	smul.u32 @!p0 $0xF7A, s2;
	p2 =	seq.s32 @!p0 s5, $0x0  }
0x1f: {  	s9 =	smul.u32 $0xF7A, s1;
	s8 =	simm.s32 @!p0 $0x1BF5;
	p2 =	por !p2, p0  }
0x20: {  	[sflag:s8] =	ssyncset.s32 @!p0 $0xFFFFF086;
	s6 =	sadd.s32 @!p0 s3, s7;
	s7 =	simm.s32 @!p0 $0x108  }
0x21: {  	s3 =	sadd.s32 s3, s9;
	s6 =	sadd.s32 @!p0 $0x88, s6;
	s7 =	simm.s32 @p2 $0x1082  }
0x22: {  	[simem:s7], [sflag:s8] =	dma.local @!p0 [hbm:s6], $0xF7A  }
0x23: {  	s9 =	sor.u32 $0xD0000000, s2;
	s6 =	simm.s32 $0x108;
	_ =	swait.ge @!p0 [sflag:s8], $0x0  }
0x24: {  	s3 =	sadd.s32 $0x88, s3;
	s6 =	simm.s32 @!p1 $0x1082;
	[sflag:s4] =	ssyncset.s32 $0xFFFFF086  }
0x25: {  	[simem:s6], [sflag:s4] =	dma.local [hbm:s3], $0xF7A  }
0x26: {  	[smem:$0x3F92] =	sst s1;
	(tag) =	ssettag s2;
	_ =	strace s9  }
0x27: {  	s1 =	sld [smem:$0x3FA2]  }
0x28: {  	s2 =	sld [smem:$0x3FA3]  }
0x29: {  	s4 =	sld [smem:$0x3FA5]  }
0x2a: {  	p0 =	seq.s32 s5, $0x0;
	s5 =	sld [smem:$0x3FA6]  }
0x2b: {  	s6 =	sld [smem:$0x3FA7]  }
0x2c: {  	s7 =	sld [smem:$0x3FA8]  }
0x2d: {  	s3 =	simm.s32 $0x108;
	s8 =	sld [smem:$0x3FA9]  }
0x2e: {  	s3 =	simm.s32 @!p0 $0x1082;
	s9 =	sld [smem:$0x3FAA]  }
0x2f: {  	lr =	sadd.s32 s0, s3;
	s0 =	sld [smem:$0x3FA1]  }
0x30: {  	s3 =	sld [smem:$0x3FA4]  }
0x31: {  	[smem:$0x3FAD] =	sst s10  }
0x32: {  	s10 =	sld [smem:$0x3FAB];
	_ =	sdelay $0x3  }
0x33: {  	p0 =	seq.s32 s10, $0x1;
	s10 =	sld [smem:$0x3FAD];
	_ =	sdelay $0x3  }
0x34: {  	[smem:$0x3FAD] =	sst s10  }
0x35: {  	s10 =	sld [smem:$0x3FAC];
	_ =	sdelay $0x3  }
0x36: {  	p1 =	seq.s32 s10, $0x1;
	s10 =	sld [smem:$0x3FAD];
	_ =	sdelay $0x3  }
0x37: {  	[smem:$0x3FAD] =	sst s10  }
0x38: {  	s10 =	sld [smem:$0x3FAE]  }
0x39: {  	_ = 	snop;
	(pc) =	sbr.ind lr, $3  }
0x3a: {  	_ = 	snop  }
0x3b: {  	_ = 	snop  }
0x3c: {  	p2 =	seq.s32 s10, $0x1;
	s10 =	sld [smem:$0x3FAD]  }
0x3d: {  	_ =	shalt  }
0x3e: {  	_ =	shalt  }
0x3f: {  	_ =	shalt  }
0x40: {  	_ =	shalt  }
0x41: {  	_ =	shalt  }
0x42: {  	_ =	shalt  }
0x43: {  	_ =	shalt  }
0x44: {  	_ =	shalt  }
0x45: {  	_ =	shalt  }
0x46: {  	_ =	shalt  }
0x47: {  	_ =	shalt  }
0x48: {  	_ =	shalt  }
0x49: {  	_ =	shalt  }
0x4a: {  	_ =	shalt  }
0x4b: {  	_ =	shalt  }
0x4c: {  	_ =	shalt  }
0x4d: {  	_ =	shalt  }
0x4e: {  	_ =	shalt  }
0x4f: {  	_ =	shalt  }
0x50: {  	_ =	shalt  }
0x51: {  	_ =	shalt  }
0x52: {  	_ =	shalt  }
0x53: {  	_ =	shalt  }
0x54: {  	_ =	shalt  }
0x55: {  	_ =	shalt  }
0x56: {  	_ =	shalt  }
0x57: {  	_ =	shalt  }
0x58: {  	_ =	shalt  }
0x59: {  	_ =	shalt  }
0x5a: {  	_ =	shalt  }
0x5b: {  	_ =	shalt  }
0x5c: {  	_ =	shalt  }
0x5d: {  	_ =	shalt  }
0x5e: {  	_ =	shalt  }
0x5f: {  	_ =	shalt  }
0x60: {  	_ =	shalt  }
0x61: {  	_ =	shalt  }
0x62: {  	_ =	shalt  }
0x63: {  	_ =	shalt  }
0x64: {  	_ =	shalt  }
0x65: {  	_ =	shalt  }
0x66: {  	_ =	shalt  }
0x67: {  	_ =	shalt  }
0x68: {  	_ =	shalt  }
0x69: {  	_ =	shalt  }
0x6a: {  	_ =	shalt  }
0x6b: {  	_ =	shalt  }
0x6c: {  	_ =	shalt  }
0x6d: {  	_ =	shalt  }
0x6e: {  	_ =	shalt  }
0x6f: {  	_ =	shalt  }
0x70: {  	_ =	shalt  }
0x71: {  	_ =	shalt  }
0x72: {  	_ =	shalt  }
0x73: {  	_ =	shalt  }
0x74: {  	_ =	shalt  }
0x75: {  	_ =	shalt  }
0x76: {  	_ =	shalt  }
0x77: {  	_ =	shalt  }
0x78: {  	_ =	shalt  }
0x79: {  	_ =	shalt  }
0x7a: {  	_ =	shalt  }
0x7b: {  	_ =	shalt  }
0x7c: {  	_ =	shalt  }
0x7d: {  	_ =	shalt  }
0x7e: {  	_ =	shalt  }
0x7f: {  	_ =	shalt  }
0x80: {  	_ =	shalt  }
0x81: {  	_ =	shalt  }
0x82: {  	_ =	shalt  }
0x83: {  	_ =	shalt  }
0x84: {  	_ =	shalt  }
0x85: {  	_ =	shalt  }
0x86: {  	_ =	shalt  }
0x87: {  	_ =	shalt  }
.Lfunc_end0:
.L_simem_size_0:
called_computation_lowered:
.L_overlay_start_0:
0x88: {  	s2 =	sld [smem:$0x3FD9]  }
0x89: {  	s3 =	sld [smem:$0x3FFE];
	_ =	sdelay $0x1  }
0x8a: {  	s1 =	srdreg.scid  }
0x8b: {  	s0 =	sand.u32 $0x1, s1  }
0x8c: {  	s14 =	sshll.u32 s0, $0xA;
	s2 =	sadd.s32 s3, s2  }
0x8d: {  	s2 =	sadd.s32 s2, s14  }
0x8e: {  	[smem:$0x3FB9] =	sst s2  }
0x8f: {  	_ = 	snop  }
0x90: {  	s2 =	sld [smem:$0x3FD0];
	_ =	sdelay $0x2  }
0x91: {  	s4 =	simm.s32 $0xA;
	s5 =	simm.s32 $0x10;
	s15 =	sld [smem:$0x3FC9]  }
0x92: {  	[smem:s5], [sflag:s4] =	dma.local [hbm:s2], $0x1  }
0x93: {  	_ =	swait.eq [sflag:s4], $0x1  }
0x94: {  	[sflag:s4] =	ssyncset.done $0x0  }
0x95: {  	[sflag:s4] =	ssyncadd.s32 $0xFFFFFFFF  }
0x96: {  	s16 =	sld [smem:$0x10];
	(tm) =	ssettm $0x1  }
0x97: {  	s17 =	sld [smem:$0x3FFB];
	_ =	sdelay $0x3  }
0x98: {  	_ =	strace s17  }
0x99: {  	s4 =	sld [smem:$0x3FFC];
	_ =	sdelay $0x3  }
0x9a: {  	_ =	strace s4  }
0x9b: {  	s4 =	sld [smem:$0x3FFD];
	_ =	sdelay $0x3  }
0x9c: {  	_ =	strace s4  }
0x9d: {  	_ =	strace $0x8FFFFFFF  }
0x9e: {  	s18 =	sld [smem:$0x3FDB];
	_ =	sdelay $0x1  }
0x9f: {  	s19 =	simm.s32 $_scs_section_size  }
0xa0: {  	s6 =	simm.s32 $_size__tile_overlayer_lowered;
	s7 =	simm.s32 $_tile_overlayer_lowered  }
0xa1: {  	s22 =	simm.s32 $0x1BFF;
	s21 =	sshll.u32 s7, $0x1;
	s4 =	sadd.s32 s19, s18  }
0xa2: {  	s8 =	simm.s32 $0x0;
	s20 =	sshll.u32 s6, $0x1;
	s6 =	sadd.s32 s21, s4  }
0xa3: {  	[timem:s8], [sflag:s22] =	dma.local [hbm:s6], s20  }
0xa4: {  	_ =	swait.ge [sflag:s22], s20  }
0xa5: {  	s5 =	ssub.s32 $0x0, s20;
	[sflag:s22] =	ssyncset.done $0x0  }
0xa6: {  	[sflag:s22] =	ssyncadd.s32 s5;
	_ =	sdelay $0x1  }
0xa7: {  	s23 =	simm.s32 $0x1B8B  }
0xa8: {  	_ =	swait.ge [sflag:s23], $0x1  }
0xa9: {  	[sflag:s23] =	ssyncset.done $0x0  }
0xaa: {  	s25 =	simm.s32 $0x1B8E;
	s24 =	sld [smem:$0x3FFE];
	[sflag:s23] =	ssyncadd.s32 $0xFFFFFFFF  }
0xab: {  	s26 =	simm.s32 $execute0_lowered;
	[smem:$0x3FD2] =	sst s25  }
0xac: {  	s6 =	sshll.u32 s26, $0x1;
	_ =	strace $0x80000046;
	[dreg:$0x1] =	wrdreg $0xFFFFFFFF  }
0xad: {  	s28 =	simm.s32 $_size_execute0_lowered;
	s4 =	sadd.s32 s4, s6;
	[dreg:$0x0] =	wrdreg $0x0  }
0xae: {  	s6 =	sshll.u32 s28, $0x1;
	[dreg:$0x2] =	wrdreg s4  }
0xaf: {  	[dreg:$0x3] =	wrdreg s6  }
0xb0: {  	[dreg:$0x4] =	wrdreg $0xC0  }
0xb1: {  	_ =	task [dreg:s8], $0x5FFFF  }
0xb2: {  	[dreg:$0x1] =	wrdreg $0xFFFFFFFF  }
0xb3: {  	[dreg:$0x0] =	wrdreg $0x60  }
0xb4: {  	[dreg:$0x2] =	wrdreg s15  }
0xb5: {  	[dreg:$0x3] =	wrdreg s24  }
0xb6: {  	[dreg:$0x4] =	wrdreg s16  }
0xb7: {  	[dreg:$0x5] =	wrdreg $0xC7000  }
0xb8: {  	[dreg:$0x6] =	wrdreg $0x9  }
0xb9: {  	_ =	task.clear_ibuf [dreg:s8], $0x7FFFF;
	_ =	strace $0x90000046  }
0xba: {  	s29 =	simm.s32 $0x9;
	_ =	strace $0x80000048  }
0xbb: {  	_ =	swait.ge [sflag:s29], $0x1  }
0xbc: {  	[sflag:s29] =	ssyncadd.s32 $0xFFFFFFFF  }
0xbd: {  	_ =	strace $0x90000048  }
0xbe: {  	_ =	sfence  }
0xbf: {  	s30 =	sld [smem:$0x0];
	_ =	sdelay $0x2  }
0xc0: {  	s31 =	sshll.u32 s1, $0xD;
	s1 =	sshrl.u32 s1, $0x2  }
0xc1: {  	s3 =	sand.u32 $0x4000, s31;
	s1 =	sadd.s32 s1, s30  }
0xc2: {  	s0 =	sor.u32 s3, s0;
	s1 =	sshll.u32 s1, $0x11  }
0xc3: {  	s0 =	sor.u32 s1, s0  }
0xc4: {  	s0 =	sadd.s32 $0x8F2B, s0  }
0xc5: {  	[sflag:s0] =	ssyncadd.remote.s32 $0x1  }
0xc6: {  	_ =	sfence.sel $0xFFFF  }
0xc7: {  	[dreg:$0x0] =	wrdreg $0xFFFFFFFF;
	(pc) =	sbr.abs _section_cstart, $3  }
0xc8: {  	[dreg:$0x1] =	wrdreg $0xFFFFFFFF  }
0xc9: {  	_ =	task.clear_ibuf [dreg:s8], $0x2FFFF;
	_ =	strace $0x9FFFFFFF  }
0xca: {  	(tm) =	ssettm $0x7FFFFFFF  }
0xcb: {  	_ =	shalt  }
tec
execute0_lowered:
.L_overlay_start_1:
0x0: {  	(tag) =	ssettag $0x1  }
0x1: {  	s1 =	rddreg [dreg:$0x0]  }
0x2: {  	s2 =	rddreg [dreg:$0x1];
	s3 =	srdreg.scid  }
0x3: {  	s0 =	stileid.u32;
	s10 =	rddreg [dreg:$0x2];
	s15 =	simm.s32 $0x2780  }
0x4: {  	s16 =	simm.s32 $0x50;
	s17 =	simm.s32 $0x4F00;
	s18 =	simm.s32 $0x7700  }
0x5: {  	s19 =	simm.s32 $0x1;
	s20 =	simm.s32 $0xA0;
	s21 =	simm.s32 $0x9F00  }
0x6: {  	s22 =	simm.s32 $0x2;
	s23 =	simm.s32 $0x0;
	s6 =	sand.u32 $0x1, s3  }
0x7: {  	s4 =	sshll.u32 s0, $0x1;
	s3 =	rddreg [dreg:$0x3];
	s7 =	smul.u32 $0x4E000, s0  }
0x8: {  	s11 =	smul.u32 $0x13800, s0;
	s31 =	sshll.u32 s0, $0x6;
	p0 =	sne.s32 s0, $0xF  }
0x9: {  	s5 =	sor.u32 s6, s4;
	s4 =	simm.s32 $0x0;
	s29 =	ssub.s32 $0x2, s6  }
0xa: {  	s9 =	smul.u32 $0x138800, s6;
	s6 =	sor.u32 $0x1C03, s31;
	s14 =	sadd.s32 $0x138000, s3  }
0xb: {  	s5 =	smul.u32 $0x4EC, s5;
	[smem:$0x7FF] =	sst s4;
	s30 =	sshrl.u32 s29, $0x1  }
0xc: {  	s7 =	sshrl.u32 s7, $0x2;
	s14 =	sshrl.u32 @!p0 s14, $0x3;
	_ =	strace $0x80000047  }
0xd: {  	s12 =	sadd.s32 s7, s3;
	s11 =	sadd.s32 s11, s9;
	s13 =	sshrl.u32 s9, $0x3  }
0xe: {  	s8 =	sadd.s32 s5, s2;
	s5 =	sadd.s32 $0x16A00, s2;
	s2 =	ssub.s32 s29, s30  }
0xf: {  	s11 =	sshrl.u32 s11, $0x3;
	s12 =	sshrl.u32 s12, $0x3;
	s7 =	sadd.s32 $0xCC00, s8  }
0x10: {  	s8 =	sadd.s32 $0x2E00, s8;
	s9 =	sadd.s32 s10, s11;
	s10 =	sadd.s32 s10, s13  }
0x11: {  	s11 =	smax.u32 s2, $0x1;
	s13 =	simm.s32 $0x3;
	s10 =	sadd.s32 $0x27000, s10  }
.LBB2_1:
0x12: {  	[spmem:s12], [sflag:s6] =	dma.local [hbm:s5], $0x2700  }
0x13: {  	_ =	swait.ge [sflag:s13], $0x2700  }
0x14: {  	[sflag:s13] =	ssyncset.done $0x0  }
0x15: {  	s2 =	simm.s32 @!p0 $0x3;
	[sflag:s13] =	ssyncadd.s32 $0xFFFFD900  }
0x16: {  	[spmem:s14], [sflag:s6] =	dma.local @!p0 [hbm:s5], $0x180  }
0x17: {  	_ =	swait.ge @!p0 [sflag:s2], $0x180  }
0x18: {  	[sflag:s2] =	ssyncset.done @!p0 $0x0  }
0x19: {  	[sflag:s2] =	ssyncadd.s32 @!p0 $0xFFFFFE80  }
0x1a: {  	[tilespmem:s4], [sflag:$0x3] =	stream.linear.gather [hbm4b:s7+s4], $0x2760, $0x38;
	v63 =	vld [tilespmem:$0x0]  }
0x1b: {  	_ =	swait.ge [sflag:s13], $0x2760  }
0x1c: {  	[sflag:s13] =	ssyncset.done $0x0  }
0x1d: {  	[sflag:s13] =	ssyncadd.s32 $0xFFFFD8A0  }
0x1e: {  	[tilespmem:s15], [sflag:$0x3] =	stream.linear.gather [hbm4b:s8+s4], $0x2760, $0x38;
	v63 =	vld [tilespmem:$0x0]  }
0x1f: {  	s26 =	smul.u32 $0xAB, s13;
	_ =	swait.ge [sflag:s13], $0x2760  }
0x20: {  	[sflag:s13] =	ssyncset.done $0x0  }
0x21: {  	s24 =	sadd.s32 $0xFFFFFEAA, s26;
	[sflag:s13] =	ssyncadd.s32 $0xFFFFD8A0  }
0x22: {  	s29 =	smin.u32 s13, $0x7D;
	s24 =	sshrl.u32 s24, $0x9;
	[bflag:$0x0] =	sbarrier.arrive $0xFFFF  }
0x23: {  	[tilespmem:s17], [sflag:$0x1] =	stream.indirect.gather [hbm4b:s1+s16], $0x80, s4, s16, $0xb8;
	v63 =	vld [tilespmem:$0x0]  }
0x24: {  	s0 =	smul.u32 $0x140, s29;
	s24 =	sand.u32 $0x7F, s24  }
0x25: {  	[tilespmem:s18], [sflag:$0x1] =	stream.indirect.gather [hbm4b:s1+s16], $0x80, s16, s16, $0xb8;
	v63 =	vld [tilespmem:$0x0]  }
0x26: {  	s25 =	smul.u32 $0x3, s24;
	s24 =	simm.s32 $0x4;
	_ =	swait.ge [sflag:s19], $0x2800  }
0x27: {  	s31 =	smul.u32 $0xAB, s24;
	s2 =	sshrl.u32 s26, $0x9;
	[sflag:s19] =	ssyncset.done $0x0  }
0x28: {  	s25 =	ssub.s32 $0x3, s25;
	s2 =	sand.u32 $0x7F, s2;
	[sflag:s19] =	ssyncadd.s32 $0xFFFFD800  }
0x29: {  	[tilespmem:s21], [sflag:$0x1] =	stream.indirect.gather [hbm4b:s1+s16], $0x80, s20, s16, $0xb8;
	v63 =	vld [tilespmem:$0x0]  }
0x2a: {  	s28 =	simm.s32 $0x5;
	s25 =	sadd.s32 $0xFFFFFFFE, s25;
	s2 =	smul.u32 $0x3, s2  }
0x2b: {  	[spmem:s3] =	stream.indirect.scatter.add.f32 [tilespmem:s17], [sflag:$0x2], $0x80, s15, s16, $0xb8;
	v63 =	vld [tilespmem:$0x0]  }
0x2c: {  	s25 =	sand.u32 $0xFF, s25;
	s2 =	ssub.s32 $0x3, s2;
	_ =	swait.ge [sflag:s19], $0x2800  }
0x2d: {  	s25 =	smul.u32 $0xA000, s25;
	s2 =	sand.u32 $0xFF, s2;
	[sflag:s19] =	ssyncset.done $0x0  }
0x2e: {  	s26 =	simm.s32 $0x27D0;
	s2 =	smul.u32 $0xA000, s2;
	[sflag:s19] =	ssyncadd.s32 $0xFFFFD800  }
0x2f: {  	s29 =	sshrl.u32 s25, $0x2;
	s25 =	simm.s32 $0x2820;
	_ =	swait.ge [sflag:s22], $0x2800  }
0x30: {  	s29 =	sadd.s32 $0x4F00, s29;
	s2 =	sshrl.u32 s2, $0x2;
	[sflag:s22] =	ssyncset.done $0x0  }
0x31: {  	s30 =	sadd.s32 $0x4F00, s2;
	s2 =	sshrl.u32 s0, $0x2;
	[sflag:s22] =	ssyncadd.s32 $0xFFFFD800  }
.LBB2_2:
0x32: {  	[tilespmem:s30], [sflag:$0x1] =	stream.indirect.gather [hbm4b:s1+s16], $0x80, s2, s16, $0xb8;
	v63 =	vld [tilespmem:$0x0]  }
0x33: {  	s2 =	smov.u32 s24;
	s24 =	smov.u32 s28  }
0x34: {  	s0 =	sadd.s32 $0x1, s28;
	s30 =	sadd.s32 $0xFFFFFEAA, s31;
	s31 =	sshrl.u32 s31, $0x9  }
0x35: {  	[spmem:s3] =	stream.indirect.scatter.add.f32 [tilespmem:s29], [sflag:$0x2], $0x80, s26, s16, $0xb8;
	v63 =	vld [tilespmem:$0x0]  }
0x36: {  	s26 =	sshrl.u32 s30, $0x9;
	s29 =	sand.u32 $0x7F, s31;
	_ =	swait.ge [sflag:s19], $0x2800  }
0x37: {  	s26 =	sand.u32 $0x7F, s26;
	s29 =	smul.u32 $0x3, s29;
	[sflag:s19] =	ssyncset.done $0x0  }
0x38: {  	p1 =	sne.s32 s28, $0x7F;
	s28 =	smul.u32 $0x3, s26;
	[sflag:s19] =	ssyncadd.s32 $0xFFFFD800  }
0x39: {  	s26 =	smov.u32 s25;
	s29 =	ssub.s32 s2, s29  }
0x3a: {  	s31 =	smul.u32 $0xAB, s24;
	s28 =	ssub.s32 s2, s28;
	s29 =	sand.u32 $0xFF, s29  }
0x3b: {  	s28 =	sadd.s32 $0xFFFFFFFE, s28;
	s29 =	smul.u32 $0xA000, s29  }
.Ltmp0:
0x3c: {  	s2 =	smin.u32 s2, $0x7D;
	s28 =	sand.u32 $0xFF, s28;
	(pc) =	sbr.rel @p1 .LBB2_2-.Ltmp0, $4  }
0x3d: {  	s28 =	smul.u32 $0xA000, s28;
	s29 =	sshrl.u32 s29, $0x2;
	_ =	swait.ge [sflag:s22], $0x2800  }
0x3e: {  	s2 =	smul.u32 $0x140, s2;
	s30 =	sadd.s32 $0x4F00, s29;
	[sflag:s22] =	ssyncset.done $0x0  }
0x3f: {  	s25 =	sadd.s32 $0x50, s25;
	s28 =	sshrl.u32 s28, $0x2;
	[sflag:s22] =	ssyncadd.s32 $0xFFFFD800  }
0x40: {  	s2 =	sshrl.u32 s2, $0x2;
	s29 =	sadd.s32 $0x4F00, s28;
	s28 =	smov.u32 s0  }
0x41: {  	[tilespmem:s30], [sflag:$0x1] =	stream.indirect.gather [hbm4b:s1+s16], $0x80, s2, s16, $0xb8;
	v63 =	vld [tilespmem:$0x0]  }
0x42: {  	s0 =	sadd.s32 $0xFFFFFEAA, s31;
	s30 =	sshrl.u32 s31, $0x9  }
0x43: {  	s0 =	sshrl.u32 s0, $0x9;
	s2 =	sand.u32 $0x7F, s30  }
0x44: {  	s0 =	sand.u32 $0x7F, s0;
	s2 =	smul.u32 $0x3, s2  }
0x45: {  	[spmem:s3] =	stream.indirect.scatter.add.f32 [tilespmem:s29], [sflag:$0x2], $0x80, s26, s16, $0xb8;
	v63 =	vld [tilespmem:$0x0]  }
0x46: {  	s0 =	smul.u32 $0x3, s0  }
0x47: {  	s31 =	smin.u32 s24, $0x7D;
	_ =	swait.ge [sflag:s19], $0x2800  }
0x48: {  	s2 =	ssub.s32 s24, s2;
	[sflag:s19] =	ssyncset.done $0x0;
	s0 =	ssub.s32 s24, s0  }
0x49: {  	s2 =	sand.u32 $0xFF, s2;
	s24 =	smul.u32 $0x140, s31;
	s0 =	sadd.s32 $0xFFFFFFFE, s0  }
0x4a: {  	[sflag:s19] =	ssyncadd.s32 $0xFFFFD800;
	s2 =	smul.u32 $0xA000, s2;
	s0 =	sand.u32 $0xFF, s0  }
0x4b: {  	_ =	swait.ge [sflag:s22], $0x2800;
	s0 =	smul.u32 $0xA000, s0  }
0x4c: {  	[sflag:s22] =	ssyncset.done $0x0;
	s24 =	sshrl.u32 s24, $0x2;
	s2 =	sshrl.u32 s2, $0x2  }
0x4d: {  	[sflag:s22] =	ssyncadd.s32 $0xFFFFD800;
	s2 =	sadd.s32 $0x4F00, s2;
	s0 =	sshrl.u32 s0, $0x2  }
0x4e: {  	[tilespmem:s2], [sflag:$0x1] =	stream.indirect.gather [hbm4b:s1+s16], $0x80, s24, s16, $0xb8;
	v63 =	vld [tilespmem:$0x0]  }
0x4f: {  	s0 =	sadd.s32 $0x4F00, s0  }
0x50: {  	[spmem:s3] =	stream.indirect.scatter.add.f32 [tilespmem:s0], [sflag:$0x2], $0x80, s25, s16, $0xb8;
	v63 =	vld [tilespmem:$0x0]  }
0x51: {  	_ =	swait.ge [sflag:s19], $0x2800  }
0x52: {  	[sflag:s19] =	ssyncset.done $0x0  }
0x53: {  	[sflag:s19] =	ssyncadd.s32 $0xFFFFD800  }
0x54: {  	_ =	swait.ge [sflag:s19], $0x2800  }
0x55: {  	[sflag:s19] =	ssyncset.done $0x0  }
0x56: {  	[sflag:s19] =	ssyncadd.s32 $0xFFFFD800  }
0x57: {  	_ =	swait.ge [sflag:s22], $0x2800  }
0x58: {  	[sflag:s22] =	ssyncset.done $0x0  }
0x59: {  	[sflag:s22] =	ssyncadd.s32 $0xFFFFD800  }
0x5a: {  	[bflag:$0x0] =	sbarrier.arrive $0xFFFF  }
0x5b: {  	[hbm:s9], [sflag:s6] =	dma.local [spmem:s12], $0x2700  }
0x5c: {  	s23 =	sadd.s32 $0x1, s23;
	_ =	swait.ge [sflag:s13], $0x2700  }
0x5d: {  	p1 =	sne.s32 s23, s11;
	[sflag:s13] =	ssyncset.done $0x0  }
.Ltmp1:
0x5e: {  	s0 =	simm.s32 @!p0 $0x3;
	[sflag:s13] =	ssyncadd.s32 $0xFFFFD900;
	(pc) =	sbr.rel @p1 .LBB2_1-.Ltmp1, $4  }
0x5f: {  	[hbm:s10], [sflag:s6] =	dma.local @!p0 [spmem:s14], $0x100  }
0x60: {  	_ =	swait.ge @!p0 [sflag:s0], $0x100  }
0x61: {  	[sflag:s0] =	ssyncset.done @!p0 $0x0  }
0x62: {  	[sflag:s0] =	ssyncadd.s32 @!p0 $0xFFFFFF00  }
0x63: {  	_ =	sfence.sel $0x180000  }
0x64: {  	[bflag:$0x0] =	sbarrier.arrive $0xFFFF  }
0x65: {  	_ =	strace $0x90000047  }
0x66: {  	s0 =	stileid.u32;
	[bflag:$0x2] =	sbarrier.arrive $0xFFFF  }
0x67: {  	p0 =	sne.s32 s0, $0x0;
	s0 =	rddreg [dreg:$0x4]  }
0x68: {  	s0 =	sadd.s32 @!p0 $0x100000, s0  }
0x69: {  	[sflag:s0] =	ssyncadd.tile.s32 @!p0 $0x1;
	_ =	shalt  }
.Lfunc_end2:
_tile_overlayer_lowered:
.L_overlay_start_2:
0x6a: {  	(tag) =	ssettag $0x2  }
0x6b: {  	s0 =	rddreg [dreg:$0x0];
	s2 =	stileid.u32  }
0x6c: {  	s1 =	rddreg [dreg:$0x1];
	p0 =	sne.s32 s2, $0x0  }
0x6d: {  	s3 =	rddreg [dreg:$0x2];
	[bflag:$0x3] =	sbarrier.arrive $0xFFFF;
	s2 =	simm.s32 @!p0 $0x1C03  }
0x6e: {  	[timem:s3], [sflag:s2] =	dma.local @!p0 [hbm:s0], s1  }
0x6f: {  	s0 =	simm.s32 @!p0 $0x3  }
0x70: {  	_ =	swait.ge @!p0 [sflag:s0], s1  }
0x71: {  	s1 =	ssub.s32 @!p0 $0x0, s1;
	[sflag:s0] =	ssyncset.done @!p0 $0x0  }
0x72: {  	[sflag:s0] =	ssyncadd.s32 @!p0 s1  }
0x73: {  	[bflag:$0x3] =	sbarrier.arrive $0xFFFF  }
0x74: {  	_ =	shalt  }

// kernel: kernel.9.cloned.1.call-start
scs
__scs_entry_jumppad:
0x0: {  	(pc) =	sbr.rel $0x88, $3  }
0x1: {  	(tag) =	ssettag $0x0;
	lr =	simm.s32 $0x1  }
0x2: {  	[smem:$0x3F92] =	sst lr;
	_ =	strace $0xD0000000  }
0x3: {  	_ = 	snop  }
0x4: {  	_ = 	snop  }
0x5: {  	_ = 	snop  }
0x6: {  	_ = 	snop  }
0x7: {  	_ = 	snop  }
__scs_overlays_trampoline_lowered:
0x8: {  	[smem:$0x3FA1] =	sst s0  }
0x9: {  	[smem:$0x3FA2] =	sst s1  }
0xa: {  	[smem:$0x3FA3] =	sst s2  }
0xb: {  	[smem:$0x3FA4] =	sst s3  }
0xc: {  	[smem:$0x3FA5] =	sst s4  }
0xd: {  	[smem:$0x3FA6] =	sst s5  }
0xe: {  	[smem:$0x3FA7] =	sst s6  }
0xf: {  	[smem:$0x3FA8] =	sst s7  }
0x10: {  	[smem:$0x3FA9] =	sst s8  }
0x11: {  	[smem:$0x3FAA] =	sst s9;
	s0 =	simm.s32 @!p0 $0x0  }
0x12: {  	s1 =	sld [smem:$0x3F90];
	s0 =	simm.s32 @p0 $0x1  }
0x13: {  	[smem:$0x3FAB] =	sst s0;
	s0 =	simm.s32 @!p1 $0x0  }
0x14: {  	s2 =	sld [smem:$0x3F8F];
	s0 =	simm.s32 @p1 $0x1  }
0x15: {  	[smem:$0x3FAC] =	sst s0;
	s0 =	simm.s32 @!p2 $0x0  }
0x16: {  	s3 =	sld [smem:$0x3FDB];
	s0 =	simm.s32 @p2 $0x1  }
0x17: {  	s4 =	simm.s32 $0x1BF5;
	[smem:$0x3FAE] =	sst s0  }
0x18: {  	s0 =	sld [smem:$0x3F91];
	_ =	swait.ge [sflag:s4], $0x0  }
0x19: {  	s7 =	sld [smem:$0x3F92]  }
0x1a: {  	s8 =	sadd.s32 $0xFFFFE003, lr  }
0x1b: {  	s9 =	sadd.s32 $0xFFFFFEF7, lr;
	s5 =	simm.s32 $0xFFFFFFFF;
	p2 =	slt.u32 s8, $0xFFFFF086  }
0x1c: {  	p1 =	slt.u32 s9, $0xF7A;
	s5 =	simm.s32 @!p2 $0x0  }
0x1d: {  	s5 =	simm.s32 @p1 $0x1;
	p0 =	seq.s32 s7, s2  }
0x1e: {  	s7 =	smul.u32 @!p0 $0xF7A, s2;
	p2 =	seq.s32 @!p0 s5, $0x0  }
0x1f: {  	s9 =	smul.u32 $0xF7A, s1;
	s8 =	simm.s32 @!p0 $0x1BF5;
	p2 =	por !p2, p0  }
0x20: {  	[sflag:s8] =	ssyncset.s32 @!p0 $0xFFFFF086;
	s6 =	sadd.s32 @!p0 s3, s7;
	s7 =	simm.s32 @!p0 $0x108  }
0x21: {  	s3 =	sadd.s32 s3, s9;
	s6 =	sadd.s32 @!p0 $0x88, s6;
	s7 =	simm.s32 @p2 $0x1082  }
0x22: {  	[simem:s7], [sflag:s8] =	dma.local @!p0 [hbm:s6], $0xF7A  }
0x23: {  	s9 =	sor.u32 $0xD0000000, s2;
	s6 =	simm.s32 $0x108;
	_ =	swait.ge @!p0 [sflag:s8], $0x0  }
0x24: {  	s3 =	sadd.s32 $0x88, s3;
	s6 =	simm.s32 @!p1 $0x1082;
	[sflag:s4] =	ssyncset.s32 $0xFFFFF086  }
0x25: {  	[simem:s6], [sflag:s4] =	dma.local [hbm:s3], $0xF7A  }
0x26: {  	[smem:$0x3F92] =	sst s1;
	(tag) =	ssettag s2;
	_ =	strace s9  }
0x27: {  	s1 =	sld [smem:$0x3FA2]  }
0x28: {  	s2 =	sld [smem:$0x3FA3]  }
0x29: {  	s4 =	sld [smem:$0x3FA5]  }
0x2a: {  	p0 =	seq.s32 s5, $0x0;
	s5 =	sld [smem:$0x3FA6]  }
0x2b: {  	s6 =	sld [smem:$0x3FA7]  }
0x2c: {  	s7 =	sld [smem:$0x3FA8]  }
0x2d: {  	s3 =	simm.s32 $0x108;
	s8 =	sld [smem:$0x3FA9]  }
0x2e: {  	s3 =	simm.s32 @!p0 $0x1082;
	s9 =	sld [smem:$0x3FAA]  }
0x2f: {  	lr =	sadd.s32 s0, s3;
	s0 =	sld [smem:$0x3FA1]  }
0x30: {  	s3 =	sld [smem:$0x3FA4]  }
0x31: {  	[smem:$0x3FAD] =	sst s10  }
0x32: {  	s10 =	sld [smem:$0x3FAB];
	_ =	sdelay $0x3  }
0x33: {  	p0 =	seq.s32 s10, $0x1;
	s10 =	sld [smem:$0x3FAD];
	_ =	sdelay $0x3  }
0x34: {  	[smem:$0x3FAD] =	sst s10  }
0x35: {  	s10 =	sld [smem:$0x3FAC];
	_ =	sdelay $0x3  }
0x36: {  	p1 =	seq.s32 s10, $0x1;
	s10 =	sld [smem:$0x3FAD];
	_ =	sdelay $0x3  }
0x37: {  	[smem:$0x3FAD] =	sst s10  }
0x38: {  	s10 =	sld [smem:$0x3FAE]  }
0x39: {  	_ = 	snop;
	(pc) =	sbr.ind lr, $3  }
0x3a: {  	_ = 	snop  }
0x3b: {  	_ = 	snop  }
0x3c: {  	p2 =	seq.s32 s10, $0x1;
	s10 =	sld [smem:$0x3FAD]  }
0x3d: {  	_ =	shalt  }
0x3e: {  	_ =	shalt  }
0x3f: {  	_ =	shalt  }
0x40: {  	_ =	shalt  }
0x41: {  	_ =	shalt  }
0x42: {  	_ =	shalt  }
0x43: {  	_ =	shalt  }
0x44: {  	_ =	shalt  }
0x45: {  	_ =	shalt  }
0x46: {  	_ =	shalt  }
0x47: {  	_ =	shalt  }
0x48: {  	_ =	shalt  }
0x49: {  	_ =	shalt  }
0x4a: {  	_ =	shalt  }
0x4b: {  	_ =	shalt  }
0x4c: {  	_ =	shalt  }
0x4d: {  	_ =	shalt  }
0x4e: {  	_ =	shalt  }
0x4f: {  	_ =	shalt  }
0x50: {  	_ =	shalt  }
0x51: {  	_ =	shalt  }
0x52: {  	_ =	shalt  }
0x53: {  	_ =	shalt  }
0x54: {  	_ =	shalt  }
0x55: {  	_ =	shalt  }
0x56: {  	_ =	shalt  }
0x57: {  	_ =	shalt  }
0x58: {  	_ =	shalt  }
0x59: {  	_ =	shalt  }
0x5a: {  	_ =	shalt  }
0x5b: {  	_ =	shalt  }
0x5c: {  	_ =	shalt  }
0x5d: {  	_ =	shalt  }
0x5e: {  	_ =	shalt  }
0x5f: {  	_ =	shalt  }
0x60: {  	_ =	shalt  }
0x61: {  	_ =	shalt  }
0x62: {  	_ =	shalt  }
0x63: {  	_ =	shalt  }
0x64: {  	_ =	shalt  }
0x65: {  	_ =	shalt  }
0x66: {  	_ =	shalt  }
0x67: {  	_ =	shalt  }
0x68: {  	_ =	shalt  }
0x69: {  	_ =	shalt  }
0x6a: {  	_ =	shalt  }
0x6b: {  	_ =	shalt  }
0x6c: {  	_ =	shalt  }
0x6d: {  	_ =	shalt  }
0x6e: {  	_ =	shalt  }
0x6f: {  	_ =	shalt  }
0x70: {  	_ =	shalt  }
0x71: {  	_ =	shalt  }
0x72: {  	_ =	shalt  }
0x73: {  	_ =	shalt  }
0x74: {  	_ =	shalt  }
0x75: {  	_ =	shalt  }
0x76: {  	_ =	shalt  }
0x77: {  	_ =	shalt  }
0x78: {  	_ =	shalt  }
0x79: {  	_ =	shalt  }
0x7a: {  	_ =	shalt  }
0x7b: {  	_ =	shalt  }
0x7c: {  	_ =	shalt  }
0x7d: {  	_ =	shalt  }
0x7e: {  	_ =	shalt  }
0x7f: {  	_ =	shalt  }
0x80: {  	_ =	shalt  }
0x81: {  	_ =	shalt  }
0x82: {  	_ =	shalt  }
0x83: {  	_ =	shalt  }
0x84: {  	_ =	shalt  }
0x85: {  	_ =	shalt  }
0x86: {  	_ =	shalt  }
0x87: {  	_ =	shalt  }
.Lfunc_end0:
.L_simem_size_0:
called_computation.1_lowered:
.L_overlay_start_0:
0x88: {  	s2 =	sld [smem:$0x3FD9]  }
0x89: {  	s3 =	sld [smem:$0x3FFE];
	_ =	sdelay $0x1  }
0x8a: {  	s1 =	srdreg.scid  }
0x8b: {  	s0 =	sand.u32 $0x1, s1  }
0x8c: {  	s14 =	sshll.u32 s0, $0xA;
	s2 =	sadd.s32 s3, s2  }
0x8d: {  	s2 =	sadd.s32 s2, s14  }
0x8e: {  	[smem:$0x3FB9] =	sst s2  }
0x8f: {  	_ = 	snop  }
0x90: {  	s2 =	sld [smem:$0x3FD0];
	_ =	sdelay $0x2  }
0x91: {  	s15 =	simm.s32 $0xA;
	s4 =	simm.s32 $0x10  }
0x92: {  	[smem:s4], [sflag:s15] =	dma.local [hbm:s2], $0x1  }
0x93: {  	_ =	swait.eq [sflag:s15], $0x1  }
0x94: {  	[sflag:s15] =	ssyncset.done $0x0  }
0x95: {  	[sflag:s15] =	ssyncadd.s32 $0xFFFFFFFF  }
0x96: {  	s16 =	sld [smem:$0x10];
	(tm) =	ssettm $0x1  }
0x97: {  	s17 =	sld [smem:$0x3FFB];
	_ =	sdelay $0x3  }
0x98: {  	_ =	strace s17  }
0x99: {  	s3 =	sld [smem:$0x3FFC];
	_ =	sdelay $0x3  }
0x9a: {  	_ =	strace s3  }
0x9b: {  	s3 =	sld [smem:$0x3FFD];
	_ =	sdelay $0x3  }
0x9c: {  	_ =	strace s3  }
0x9d: {  	_ =	strace $0x8FFFFFFF  }
0x9e: {  	s18 =	sld [smem:$0x3FDB];
	_ =	sdelay $0x1  }
0x9f: {  	s19 =	simm.s32 $_scs_section_size  }
0xa0: {  	s5 =	simm.s32 $_size__tile_overlayer_lowered;
	s6 =	simm.s32 $_tile_overlayer_lowered  }
0xa1: {  	s22 =	simm.s32 $0x1BFF;
	s21 =	sshll.u32 s6, $0x1;
	s3 =	sadd.s32 s19, s18  }
0xa2: {  	s7 =	simm.s32 $0x0;
	s20 =	sshll.u32 s5, $0x1;
	s5 =	sadd.s32 s21, s3  }
0xa3: {  	[timem:s7], [sflag:s22] =	dma.local [hbm:s5], s20  }
0xa4: {  	_ =	swait.ge [sflag:s22], s20  }
0xa5: {  	s4 =	ssub.s32 $0x0, s20;
	[sflag:s22] =	ssyncset.done $0x0  }
0xa6: {  	[sflag:s22] =	ssyncadd.s32 s4;
	_ =	sdelay $0x1  }
0xa7: {  	s23 =	simm.s32 $0x1B8B  }
0xa8: {  	_ =	swait.ge [sflag:s23], $0x1  }
0xa9: {  	[sflag:s23] =	ssyncset.done $0x0  }
0xaa: {  	s25 =	simm.s32 $0x1B8E;
	s24 =	sld [smem:$0x3FFE];
	[sflag:s23] =	ssyncadd.s32 $0xFFFFFFFF  }
0xab: {  	s26 =	simm.s32 $execute0_lowered;
	[smem:$0x3FD2] =	sst s25  }
0xac: {  	s5 =	sshll.u32 s26, $0x1;
	_ =	strace $0x80000049;
	[dreg:$0x1] =	wrdreg $0xFFFFFFFF  }
0xad: {  	s28 =	simm.s32 $_size_execute0_lowered;
	s3 =	sadd.s32 s3, s5;
	[dreg:$0x0] =	wrdreg $0x0  }
0xae: {  	s5 =	sshll.u32 s28, $0x1;
	[dreg:$0x2] =	wrdreg s3  }
0xaf: {  	[dreg:$0x3] =	wrdreg s5  }
0xb0: {  	[dreg:$0x4] =	wrdreg $0xC0  }
0xb1: {  	_ =	task [dreg:s7], $0x5FFFF  }
0xb2: {  	[dreg:$0x1] =	wrdreg $0xFFFFFFFF  }
0xb3: {  	[dreg:$0x0] =	wrdreg $0x60  }
0xb4: {  	[dreg:$0x2] =	wrdreg s24  }
0xb5: {  	[dreg:$0x3] =	wrdreg s16  }
0xb6: {  	[dreg:$0x4] =	wrdreg $0xC7000  }
0xb7: {  	[dreg:$0x5] =	wrdreg $0x9  }
0xb8: {  	_ =	task.clear_ibuf [dreg:s7], $0x6FFFF;
	_ =	strace $0x90000049  }
0xb9: {  	s29 =	simm.s32 $0x9;
	_ =	strace $0x8000004B  }
0xba: {  	_ =	swait.ge [sflag:s29], $0x1  }
0xbb: {  	[sflag:s29] =	ssyncadd.s32 $0xFFFFFFFF  }
0xbc: {  	_ =	strace $0x9000004B  }
0xbd: {  	_ =	sfence  }
0xbe: {  	s30 =	sld [smem:$0x0];
	_ =	sdelay $0x2  }
0xbf: {  	s31 =	sshll.u32 s1, $0xD;
	s1 =	sshrl.u32 s1, $0x2  }
0xc0: {  	s3 =	sand.u32 $0x4000, s31;
	s1 =	sadd.s32 s1, s30  }
0xc1: {  	s0 =	sor.u32 s3, s0;
	s1 =	sshll.u32 s1, $0x11  }
0xc2: {  	s0 =	sor.u32 s1, s0  }
0xc3: {  	s0 =	sadd.s32 $0x8F2B, s0  }
0xc4: {  	[sflag:s0] =	ssyncadd.remote.s32 $0x1  }
0xc5: {  	_ =	sfence.sel $0xFFFF  }
0xc6: {  	[dreg:$0x0] =	wrdreg $0xFFFFFFFF;
	(pc) =	sbr.abs _section_cstart, $3  }
0xc7: {  	[dreg:$0x1] =	wrdreg $0xFFFFFFFF  }
0xc8: {  	_ =	task.clear_ibuf [dreg:s7], $0x2FFFF;
	_ =	strace $0x9FFFFFFF  }
0xc9: {  	(tm) =	ssettm $0x7FFFFFFF  }
tec
execute0_lowered:
.L_overlay_start_1:
0x0: {  	(tag) =	ssettag $0x1  }
0x1: {  	s1 =	rddreg [dreg:$0x0]  }
0x2: {  	s10 =	rddreg [dreg:$0x1];
	s3 =	srdreg.scid  }
0x3: {  	s0 =	stileid.u32;
	s2 =	rddreg [dreg:$0x2];
	s15 =	simm.s32 $0x2780  }
0x4: {  	s16 =	simm.s32 $0x50;
	s17 =	simm.s32 $0x4F00;
	s18 =	simm.s32 $0x7700  }
0x5: {  	s19 =	simm.s32 $0x1;
	s20 =	simm.s32 $0xA0;
	s21 =	simm.s32 $0x9F00  }
0x6: {  	s22 =	simm.s32 $0x2;
	s23 =	simm.s32 $0x0;
	s6 =	sand.u32 $0x1, s3  }
0x7: {  	s4 =	sshll.u32 s0, $0x1;
	s3 =	simm.s32 $0x0;
	s7 =	smul.u32 $0x4E000, s0  }
0x8: {  	s11 =	smul.u32 $0x13800, s0;
	s31 =	sshll.u32 s0, $0x6;
	s14 =	sadd.s32 $0x138000, s2  }
0x9: {  	p0 =	sne.s32 s0, $0xF;
	s4 =	sor.u32 s6, s4;
	[smem:$0x7FF] =	sst s3  }
0xa: {  	s29 =	ssub.s32 $0x2, s6;
	s9 =	smul.u32 $0x138800, s6;
	s6 =	sor.u32 $0x1C03, s31  }
0xb: {  	s14 =	sshrl.u32 @!p0 s14, $0x3;
	s5 =	smul.u32 $0x4EC, s4;
	_ =	strace $0x8000004A  }
0xc: {  	s4 =	sadd.s32 $0x19200, s1;
	s30 =	sshrl.u32 s29, $0x1;
	s7 =	sshrl.u32 s7, $0x2  }
0xd: {  	s12 =	sadd.s32 s7, s2;
	s11 =	sadd.s32 s11, s9;
	s13 =	sshrl.u32 s9, $0x3  }
0xe: {  	s8 =	sadd.s32 s5, s1;
	s5 =	sadd.s32 $0x16A00, s1;
	s1 =	ssub.s32 s29, s30  }
0xf: {  	s11 =	sshrl.u32 s11, $0x3;
	s12 =	sshrl.u32 s12, $0x3;
	s7 =	sadd.s32 $0xCC00, s8  }
0x10: {  	s8 =	sadd.s32 $0x2E00, s8;
	s9 =	sadd.s32 s10, s11;
	s10 =	sadd.s32 s10, s13  }
0x11: {  	s11 =	smax.u32 s1, $0x1;
	s13 =	simm.s32 $0x3;
	s10 =	sadd.s32 $0x27000, s10  }
.LBB2_1:
0x12: {  	[spmem:s12], [sflag:s6] =	dma.local [hbm:s5], $0x2700  }
0x13: {  	_ =	swait.ge [sflag:s13], $0x2700  }
0x14: {  	[sflag:s13] =	ssyncset.done $0x0  }
0x15: {  	s1 =	simm.s32 @!p0 $0x3;
	[sflag:s13] =	ssyncadd.s32 $0xFFFFD900  }
0x16: {  	[spmem:s14], [sflag:s6] =	dma.local @!p0 [hbm:s5], $0x180  }
0x17: {  	_ =	swait.ge @!p0 [sflag:s1], $0x180  }
0x18: {  	[sflag:s1] =	ssyncset.done @!p0 $0x0  }
0x19: {  	[sflag:s1] =	ssyncadd.s32 @!p0 $0xFFFFFE80  }
0x1a: {  	[tilespmem:s3], [sflag:$0x3] =	stream.linear.gather [hbm4b:s7+s3], $0x2760, $0x38;
	v63 =	vld [tilespmem:$0x0]  }
0x1b: {  	_ =	swait.ge [sflag:s13], $0x2760  }
0x1c: {  	[sflag:s13] =	ssyncset.done $0x0  }
0x1d: {  	[sflag:s13] =	ssyncadd.s32 $0xFFFFD8A0  }
0x1e: {  	[tilespmem:s15], [sflag:$0x3] =	stream.linear.gather [hbm4b:s8+s3], $0x2760, $0x38;
	v63 =	vld [tilespmem:$0x0]  }
0x1f: {  	s26 =	smul.u32 $0xAB, s13;
	_ =	swait.ge [sflag:s13], $0x2760  }
0x20: {  	[sflag:s13] =	ssyncset.done $0x0  }
0x21: {  	s24 =	sadd.s32 $0xFFFFFEAA, s26;
	[sflag:s13] =	ssyncadd.s32 $0xFFFFD8A0  }
0x22: {  	s29 =	smin.u32 s13, $0x7D;
	s24 =	sshrl.u32 s24, $0x9;
	[bflag:$0x0] =	sbarrier.arrive $0xFFFF  }
0x23: {  	[tilespmem:s17], [sflag:$0x1] =	stream.indirect.gather [hbm4b:s4+s16], $0x80, s3, s16, $0xb8;
	v63 =	vld [tilespmem:$0x0]  }
0x24: {  	s0 =	smul.u32 $0x140, s29;
	s24 =	sand.u32 $0x7F, s24  }
0x25: {  	[tilespmem:s18], [sflag:$0x1] =	stream.indirect.gather [hbm4b:s4+s16], $0x80, s16, s16, $0xb8;
	v63 =	vld [tilespmem:$0x0]  }
0x26: {  	s25 =	smul.u32 $0x3, s24;
	s24 =	simm.s32 $0x4;
	_ =	swait.ge [sflag:s19], $0x2800  }
0x27: {  	s31 =	smul.u32 $0xAB, s24;
	s1 =	sshrl.u32 s26, $0x9;
	[sflag:s19] =	ssyncset.done $0x0  }
0x28: {  	s25 =	ssub.s32 $0x3, s25;
	s1 =	sand.u32 $0x7F, s1;
	[sflag:s19] =	ssyncadd.s32 $0xFFFFD800  }
0x29: {  	[tilespmem:s21], [sflag:$0x1] =	stream.indirect.gather [hbm4b:s4+s16], $0x80, s20, s16, $0xb8;
	v63 =	vld [tilespmem:$0x0]  }
0x2a: {  	s28 =	simm.s32 $0x5;
	s25 =	sadd.s32 $0xFFFFFFFE, s25;
	s1 =	smul.u32 $0x3, s1  }
0x2b: {  	[spmem:s2] =	stream.indirect.scatter.add.f32 [tilespmem:s17], [sflag:$0x2], $0x80, s15, s16, $0xb8;
	v63 =	vld [tilespmem:$0x0]  }
0x2c: {  	s25 =	sand.u32 $0xFF, s25;
	s1 =	ssub.s32 $0x3, s1;
	_ =	swait.ge [sflag:s19], $0x2800  }
0x2d: {  	s25 =	smul.u32 $0xA000, s25;
	s1 =	sand.u32 $0xFF, s1;
	[sflag:s19] =	ssyncset.done $0x0  }
0x2e: {  	s26 =	simm.s32 $0x27D0;
	s1 =	smul.u32 $0xA000, s1;
	[sflag:s19] =	ssyncadd.s32 $0xFFFFD800  }
0x2f: {  	s29 =	sshrl.u32 s25, $0x2;
	s25 =	simm.s32 $0x2820;
	_ =	swait.ge [sflag:s22], $0x2800  }
0x30: {  	s29 =	sadd.s32 $0x4F00, s29;
	s1 =	sshrl.u32 s1, $0x2;
	[sflag:s22] =	ssyncset.done $0x0  }
0x31: {  	s30 =	sadd.s32 $0x4F00, s1;
	s1 =	sshrl.u32 s0, $0x2;
	[sflag:s22] =	ssyncadd.s32 $0xFFFFD800  }
.LBB2_2:
0x32: {  	[tilespmem:s30], [sflag:$0x1] =	stream.indirect.gather [hbm4b:s4+s16], $0x80, s1, s16, $0xb8;
	v63 =	vld [tilespmem:$0x0]  }
0x33: {  	s1 =	smov.u32 s24;
	s24 =	smov.u32 s28  }
0x34: {  	s0 =	sadd.s32 $0x1, s28;
	s30 =	sadd.s32 $0xFFFFFEAA, s31;
	s31 =	sshrl.u32 s31, $0x9  }
0x35: {  	[spmem:s2] =	stream.indirect.scatter.add.f32 [tilespmem:s29], [sflag:$0x2], $0x80, s26, s16, $0xb8;
	v63 =	vld [tilespmem:$0x0]  }
0x36: {  	s26 =	sshrl.u32 s30, $0x9;
	s29 =	sand.u32 $0x7F, s31;
	_ =	swait.ge [sflag:s19], $0x2800  }
0x37: {  	s26 =	sand.u32 $0x7F, s26;
	s29 =	smul.u32 $0x3, s29;
	[sflag:s19] =	ssyncset.done $0x0  }
0x38: {  	p1 =	sne.s32 s28, $0x7F;
	s28 =	smul.u32 $0x3, s26;
	[sflag:s19] =	ssyncadd.s32 $0xFFFFD800  }
0x39: {  	s26 =	smov.u32 s25;
	s29 =	ssub.s32 s1, s29  }
0x3a: {  	s31 =	smul.u32 $0xAB, s24;
	s28 =	ssub.s32 s1, s28;
	s29 =	sand.u32 $0xFF, s29  }
0x3b: {  	s28 =	sadd.s32 $0xFFFFFFFE, s28;
	s29 =	smul.u32 $0xA000, s29  }
.Ltmp0:
0x3c: {  	s1 =	smin.u32 s1, $0x7D;
	s28 =	sand.u32 $0xFF, s28;
	(pc) =	sbr.rel @p1 .LBB2_2-.Ltmp0, $4  }
0x3d: {  	s28 =	smul.u32 $0xA000, s28;
	s29 =	sshrl.u32 s29, $0x2;
	_ =	swait.ge [sflag:s22], $0x2800  }
0x3e: {  	s1 =	smul.u32 $0x140, s1;
	s30 =	sadd.s32 $0x4F00, s29;
	[sflag:s22] =	ssyncset.done $0x0  }
0x3f: {  	s25 =	sadd.s32 $0x50, s25;
	s28 =	sshrl.u32 s28, $0x2;
	[sflag:s22] =	ssyncadd.s32 $0xFFFFD800  }
0x40: {  	s1 =	sshrl.u32 s1, $0x2;
	s29 =	sadd.s32 $0x4F00, s28;
	s28 =	smov.u32 s0  }
0x41: {  	[tilespmem:s30], [sflag:$0x1] =	stream.indirect.gather [hbm4b:s4+s16], $0x80, s1, s16, $0xb8;
	v63 =	vld [tilespmem:$0x0]  }
0x42: {  	s0 =	sadd.s32 $0xFFFFFEAA, s31;
	s30 =	sshrl.u32 s31, $0x9  }
0x43: {  	s0 =	sshrl.u32 s0, $0x9;
	s1 =	sand.u32 $0x7F, s30  }
0x44: {  	s0 =	sand.u32 $0x7F, s0;
	s1 =	smul.u32 $0x3, s1  }
0x45: {  	[spmem:s2] =	stream.indirect.scatter.add.f32 [tilespmem:s29], [sflag:$0x2], $0x80, s26, s16, $0xb8;
	v63 =	vld [tilespmem:$0x0]  }
0x46: {  	s0 =	smul.u32 $0x3, s0  }
0x47: {  	s31 =	smin.u32 s24, $0x7D;
	_ =	swait.ge [sflag:s19], $0x2800  }
0x48: {  	s1 =	ssub.s32 s24, s1;
	[sflag:s19] =	ssyncset.done $0x0;
	s0 =	ssub.s32 s24, s0  }
0x49: {  	s1 =	sand.u32 $0xFF, s1;
	s24 =	smul.u32 $0x140, s31;
	s0 =	sadd.s32 $0xFFFFFFFE, s0  }
0x4a: {  	[sflag:s19] =	ssyncadd.s32 $0xFFFFD800;
	s1 =	smul.u32 $0xA000, s1;
	s0 =	sand.u32 $0xFF, s0  }
0x4b: {  	_ =	swait.ge [sflag:s22], $0x2800;
	s0 =	smul.u32 $0xA000, s0  }
0x4c: {  	[sflag:s22] =	ssyncset.done $0x0;
	s24 =	sshrl.u32 s24, $0x2;
	s1 =	sshrl.u32 s1, $0x2  }
0x4d: {  	[sflag:s22] =	ssyncadd.s32 $0xFFFFD800;
	s1 =	sadd.s32 $0x4F00, s1;
	s0 =	sshrl.u32 s0, $0x2  }
0x4e: {  	[tilespmem:s1], [sflag:$0x1] =	stream.indirect.gather [hbm4b:s4+s16], $0x80, s24, s16, $0xb8;
	v63 =	vld [tilespmem:$0x0]  }
0x4f: {  	s0 =	sadd.s32 $0x4F00, s0  }
0x50: {  	[spmem:s2] =	stream.indirect.scatter.add.f32 [tilespmem:s0], [sflag:$0x2], $0x80, s25, s16, $0xb8;
	v63 =	vld [tilespmem:$0x0]  }
0x51: {  	_ =	swait.ge [sflag:s19], $0x2800  }
0x52: {  	[sflag:s19] =	ssyncset.done $0x0  }
0x53: {  	[sflag:s19] =	ssyncadd.s32 $0xFFFFD800  }
0x54: {  	_ =	swait.ge [sflag:s19], $0x2800  }
0x55: {  	[sflag:s19] =	ssyncset.done $0x0  }
0x56: {  	[sflag:s19] =	ssyncadd.s32 $0xFFFFD800  }
0x57: {  	_ =	swait.ge [sflag:s22], $0x2800  }
0x58: {  	[sflag:s22] =	ssyncset.done $0x0  }
0x59: {  	[sflag:s22] =	ssyncadd.s32 $0xFFFFD800  }
0x5a: {  	[bflag:$0x0] =	sbarrier.arrive $0xFFFF  }
0x5b: {  	[hbm:s9], [sflag:s6] =	dma.local [spmem:s12], $0x2700  }
0x5c: {  	s23 =	sadd.s32 $0x1, s23;
	_ =	swait.ge [sflag:s13], $0x2700  }
0x5d: {  	p1 =	sne.s32 s23, s11;
	[sflag:s13] =	ssyncset.done $0x0  }
.Ltmp1:
0x5e: {  	s0 =	simm.s32 @!p0 $0x3;
	[sflag:s13] =	ssyncadd.s32 $0xFFFFD900;
	(pc) =	sbr.rel @p1 .LBB2_1-.Ltmp1, $4  }
0x5f: {  	[hbm:s10], [sflag:s6] =	dma.local @!p0 [spmem:s14], $0x100  }
0x60: {  	_ =	swait.ge @!p0 [sflag:s0], $0x100  }
0x61: {  	[sflag:s0] =	ssyncset.done @!p0 $0x0  }
0x62: {  	[sflag:s0] =	ssyncadd.s32 @!p0 $0xFFFFFF00  }
0x63: {  	_ =	sfence.sel $0x180000  }
0x64: {  	[bflag:$0x0] =	sbarrier.arrive $0xFFFF  }
0x65: {  	_ =	strace $0x9000004A  }
0x66: {  	s0 =	stileid.u32;
	[bflag:$0x2] =	sbarrier.arrive $0xFFFF  }
0x67: {  	p0 =	sne.s32 s0, $0x0;
	s0 =	rddreg [dreg:$0x3]  }
0x68: {  	s0 =	sadd.s32 @!p0 $0x100000, s0  }
0x69: {  	[sflag:s0] =	ssyncadd.tile.s32 @!p0 $0x1;
	_ =	shalt  }
.Lfunc_end2:
_tile_overlayer_lowered:
.L_overlay_start_2:
0x6a: {  	(tag) =	ssettag $0x2  }
0x6b: {  	s0 =	rddreg [dreg:$0x0];
	s2 =	stileid.u32  }
0x6c: {  	s1 =	rddreg [dreg:$0x1];
	p0 =	sne.s32 s2, $0x0  }
0x6d: {  	s3 =	rddreg [dreg:$0x2];
	[bflag:$0x3] =	sbarrier.arrive $0xFFFF;
	s2 =	simm.s32 @!p0 $0x1C03  }
0x6e: {  	[timem:s3], [sflag:s2] =	dma.local @!p0 [hbm:s0], s1  }
0x6f: {  	s0 =	simm.s32 @!p0 $0x3  }
0x70: {  	_ =	swait.ge @!p0 [sflag:s0], s1  }
0x71: {  	s1 =	ssub.s32 @!p0 $0x0, s1;
	[sflag:s0] =	ssyncset.done @!p0 $0x0  }
0x72: {  	[sflag:s0] =	ssyncadd.s32 @!p0 s1  }
0x73: {  	[bflag:$0x3] =	sbarrier.arrive $0xFFFF  }
0x74: {  	_ =	shalt  }

</sc_bundles>
